<compile_context>
chip_gen: v7x
topology: tpu7x:2x2x1
jax: 0.10.2.dev20260603
libtpu: 0.0.44.dev20260713+nightly
codegen_flags: <defaults>
</compile_context>

<pallas_src>
import functools

import jax
import jax.numpy as jnp
from jax import lax
from jax.experimental import pallas as pl
from jax.experimental.pallas import tpu as pltpu
from jax.experimental.pallas import tpu_sc as plsc

_N = 10000
_C = 128
_E = 320000
_NC = 2
_NS = 16
_NW = _NC * _NS
_NPAD = 10240
_RPT = _NPAD // _NS

_sc_mesh = plsc.VectorSubcoreMesh(core_axis_name="c", subcore_axis_name="s")


_KD = 128
_NCHUNK_D = 10240 // _KD


@functools.partial(
    pl.kernel,
    out_type=jax.ShapeDtypeStruct((_NC * _NPAD,), jnp.float32),
    mesh=_sc_mesh,
    scratch_types=[
        pltpu.VMEM((_NCHUNK_D, _KD), jnp.int32),
        pltpu.VMEM((_KD,), jnp.float32),
        pltpu.VMEM((_RPT,), jnp.float32),
        pltpu.VMEM_SHARED((_NPAD,), jnp.float32),
        pltpu.SemaphoreType.DMA,
    ],
)
def _deg_kernel(dst2_hbm, out_hbm, slab_v, ones_v, stage_v, acc_sh, sem):
    c = lax.axis_index("c")
    s = lax.axis_index("s")
    w = c * _NS + s
    rbase = s * _RPT

    def fill_ones(i, _):
        ones_v[pl.ds(i * 16, 16)] = jnp.ones((16,), jnp.float32)
        return 0

    lax.fori_loop(0, _KD // 16, fill_ones, 0)

    def fill_init(i, _):
        stage_v[pl.ds(i * 16, 16)] = jnp.ones((16,), jnp.float32)
        return 0

    lax.fori_loop(0, _RPT // 16, fill_init, 0)

    pltpu.sync_copy(dst2_hbm.at[pl.ds(w * _NCHUNK_D, _NCHUNK_D)], slab_v)
    pltpu.sync_copy(stage_v, acc_sh.at[pl.ds(rbase, _RPT)])
    plsc.subcore_barrier()

    def fire(i, _):
        pltpu.async_copy(ones_v, acc_sh.at[slab_v.at[i]], sem, add=True)
        return 0

    lax.fori_loop(0, _NCHUNK_D, fire, 0)

    def drain(i, _):
        pltpu.make_async_copy(ones_v, acc_sh.at[slab_v.at[i]], sem).wait()
        return 0

    lax.fori_loop(0, _NCHUNK_D, drain, 0)
    plsc.subcore_barrier()

    pltpu.sync_copy(acc_sh.at[pl.ds(rbase, _RPT)], out_hbm.at[pl.ds(c * _NPAD + rbase, _RPT)])


_KA = 128
_EPT_PAD = 10240
_EPAD = _EPT_PAD * _NW
_NCHUNK = _EPT_PAD // _KA


@functools.partial(
    pl.kernel,
    out_type=jax.ShapeDtypeStruct((_NC, _NPAD, _C), jnp.float32),
    mesh=_sc_mesh,
    scratch_types=[
        pltpu.VMEM((_NCHUNK, _KA), jnp.int32),
        pltpu.VMEM((_KA,), jnp.int32),
        pltpu.VMEM((_KA,), jnp.int32),
        pltpu.VMEM((_KA,), jnp.int32),
        pltpu.VMEM((_KA,), jnp.int32),
        pltpu.VMEM((_KA, _C), jnp.float32),
        pltpu.VMEM((_KA, _C), jnp.float32),
        pltpu.VMEM_SHARED((_NPAD, _C), jnp.float32),
        pltpu.SemaphoreType.DMA,
        pltpu.SemaphoreType.DMA,
        pltpu.SemaphoreType.DMA,
        pltpu.SemaphoreType.DMA,
    ],
)
def _agg_kernel(packed_hbm, y_hbm, out_hbm, slab_v, src_a, dst_a, src_b, dst_b,
                rows_a, rows_b, acc_sh, gsem_a, gsem_b, ssem_a, ssem_b):
    c = lax.axis_index("c")
    s = lax.axis_index("s")
    w = c * _NS + s
    rbase = s * _RPT

    pltpu.async_copy(y_hbm.at[pl.ds(rbase, _RPT)], acc_sh.at[pl.ds(rbase, _RPT)], ssem_b)
    pltpu.async_copy(packed_hbm.at[pl.ds(w * _NCHUNK, _NCHUNK)], slab_v, gsem_b)
    pltpu.make_async_copy(packed_hbm.at[pl.ds(w * _NCHUNK, _NCHUNK)], slab_v, gsem_b).wait()

    def unpack(i, src_v, dst_v):
        for r in range(_KA // 16):
            v = slab_v[i, pl.ds(r * 16, 16)]
            src_v[pl.ds(r * 16, 16)] = v & 0xFFFF
            dst_v[pl.ds(r * 16, 16)] = v >> 16

    def gather(src_v, rows_v, gsem):
        pltpu.async_copy(y_hbm.at[src_v], rows_v, gsem)

    def scatter(rows_v, dst_v, ssem):
        pltpu.async_copy(rows_v, acc_sh.at[dst_v], ssem, add=True)

    def wait_gather(src_v, rows_v, gsem):
        pltpu.make_async_copy(y_hbm.at[src_v], rows_v, gsem).wait()

    def wait_scatter(rows_v, dst_v, ssem):
        pltpu.make_async_copy(rows_v, acc_sh.at[dst_v], ssem).wait()

    unpack(0, src_a, dst_a)
    gather(src_a, rows_a, gsem_a)
    unpack(1, src_b, dst_b)
    gather(src_b, rows_b, gsem_b)
    pltpu.make_async_copy(y_hbm.at[pl.ds(rbase, _RPT)], acc_sh.at[pl.ds(rbase, _RPT)], ssem_b).wait()
    plsc.subcore_barrier()
    wait_gather(src_a, rows_a, gsem_a)
    scatter(rows_a, dst_a, ssem_a)

    def pair(j, _):
        wait_scatter(rows_a, dst_a, ssem_a)
        unpack(2 * j + 2, src_a, dst_a)
        wait_gather(src_b, rows_b, gsem_b)
        scatter(rows_b, dst_b, ssem_b)
        gather(src_a, rows_a, gsem_a)
        wait_scatter(rows_b, dst_b, ssem_b)
        unpack(2 * j + 3, src_b, dst_b)
        wait_gather(src_a, rows_a, gsem_a)
        scatter(rows_a, dst_a, ssem_a)
        gather(src_b, rows_b, gsem_b)
        return 0

    lax.fori_loop(0, (_NCHUNK - 2) // 2, pair, 0)

    wait_scatter(rows_a, dst_a, ssem_a)
    wait_gather(src_b, rows_b, gsem_b)
    scatter(rows_b, dst_b, ssem_b)
    wait_scatter(rows_b, dst_b, ssem_b)
    plsc.subcore_barrier()

    pltpu.sync_copy(acc_sh.at[pl.ds(rbase, _RPT)], out_hbm.at[c, pl.ds(rbase, _RPT)])


_ROWS_BLK = 2048


def _enc_body(x_ref, wt_ref, b_ref, y_ref):
    xw = jnp.dot(x_ref[...], wt_ref[...], preferred_element_type=jnp.float32)
    y_ref[...] = jnp.maximum(xw + b_ref[...], 0.0)


def _out_body(s0_ref, s1_ref, y_ref, d0_ref, d1_ref, wzt_ref, wlzat_ref,
              bz_ref, blz_ref, wht_ref, wlhat_ref, bh_ref, blh_ref, o_ref):
    dinv = lax.rsqrt(d0_ref[...] + d1_ref[...] - 1.0)
    agg = (s0_ref[...] + s1_ref[...] - y_ref[...]) * dinv
    wze = jnp.dot(wzt_ref[...], wlzat_ref[...], preferred_element_type=jnp.float32)
    bze = jnp.dot(bz_ref[...], wlzat_ref[...], preferred_element_type=jnp.float32) + blz_ref[...]
    whe = jnp.dot(wht_ref[...], wlhat_ref[...], preferred_element_type=jnp.float32)
    bhe = jnp.dot(bh_ref[...], wlhat_ref[...], preferred_element_type=jnp.float32) + blh_ref[...]
    z = jax.nn.sigmoid(jnp.dot(agg, wze, preferred_element_type=jnp.float32) + bze)
    ht = jnp.tanh(jnp.dot(agg, whe, preferred_element_type=jnp.float32) + bhe)
    o_ref[...] = (1.0 - z) * ht


def kernel(x, edge_index, edge_attr, return_embedding, W_node, b_node, W_edge,
           b_edge, Wz, bz, Wlz, blz, Wr, br, Wlr, blr, Wh, bh, Wlh, blh):
    src = edge_index[0]
    dst = edge_index[1]

    pad = _EPAD - _E
    pad_iota = jnp.arange(pad, dtype=jnp.int32)
    src_pad = jnp.concatenate([src, pad_iota % _N])
    dst_pad = jnp.concatenate([dst, _N + pad_iota % (_NPAD - _N)])
    packed = (src_pad | (dst_pad << 16)).reshape(_NW * _NCHUNK, _KA)

    deg_flat = _deg_kernel(dst_pad.reshape(_NW * _NCHUNK_D, _KD))
    d0 = deg_flat[:_NPAD].reshape(_NPAD, 1)
    d1 = deg_flat[_NPAD:].reshape(_NPAD, 1)

    grid = _NPAD // _ROWS_BLK
    rows_spec = pl.BlockSpec((_ROWS_BLK, _C), lambda i: (i, 0))
    col_spec = pl.BlockSpec((_ROWS_BLK, 1), lambda i: (i, 0))
    w_spec = pl.BlockSpec((_C, _C), lambda i: (0, 0))
    b_spec = pl.BlockSpec((1, _C), lambda i: (0, 0))

    x_enc = pl.pallas_call(
        _enc_body,
        grid=(grid,),
        in_specs=[rows_spec, w_spec, b_spec],
        out_specs=rows_spec,
        out_shape=jax.ShapeDtypeStruct((_NPAD, _C), jnp.float32),
    )(x, W_node.T, b_node.reshape(1, _C))
    y = lax.rsqrt(d0 + d1 - 1.0) * x_enc

    s_parts = _agg_kernel(packed, y)

    out_blk = _N // 5
    orow_spec = pl.BlockSpec((out_blk, _C), lambda i: (i, 0))
    ocol_spec = pl.BlockSpec((out_blk, 1), lambda i: (i, 0))
    ow_spec = pl.BlockSpec((_C, _C), lambda i: (0, 0))
    ob_spec = pl.BlockSpec((1, _C), lambda i: (0, 0))
    out = pl.pallas_call(
        _out_body,
        grid=(5,),
        in_specs=[orow_spec, orow_spec, orow_spec, ocol_spec, ocol_spec,
                  ow_spec, ow_spec, ob_spec, ob_spec, ow_spec, ow_spec, ob_spec, ob_spec],
        out_specs=orow_spec,
        out_shape=jax.ShapeDtypeStruct((_N, _C), jnp.float32),
    )(s_parts[0], s_parts[1], y, d0, d1,
      Wz.T, Wlz[:, :_C].T, bz.reshape(1, _C), blz.reshape(1, _C),
      Wh.T, Wlh[:, :_C].T, bh.reshape(1, _C), blh.reshape(1, _C))

    return out

# --- scband reference (transcript-rebuilt; emitter-appended) ---
"""Pipeline reference for scband-temporal-link-prediction-model-43542378447127 (READ-ONLY COPY).

The authoritative reference and input builder live on the scoring server;
editing this copy changes nothing except your own understanding.
"""

import jax, jax.numpy as jnp
import numpy as np

N = 10000
E = 320000
D_NODE = 128
D_EDGE = 16
C = 128


def _linear_init(key, out_f, in_f):
    k1, k2 = jax.random.split(key)
    lim = 1.0 / np.sqrt(in_f)
    W = jax.random.uniform(k1, (out_f, in_f), minval=-lim, maxval=lim, dtype=jnp.float32)
    b = jax.random.uniform(k2, (out_f,), minval=-lim, maxval=lim, dtype=jnp.float32)
    return W, b


def setup_inputs(seed: int = 0):
    key = jax.random.key(seed)
    ks = jax.random.split(key, 12)
    inp = {}
    inp["x"] = jax.random.normal(ks[0], (N, D_NODE), dtype=jnp.float32)
    inp["edge_index"] = jax.random.randint(ks[1], (2, E), 0, N, dtype=jnp.int32)
    inp["edge_attr"] = jax.random.normal(ks[2], (E, D_EDGE), dtype=jnp.float32)
    inp["return_embedding"] = 1
    inp["W_node"], inp["b_node"] = _linear_init(ks[3], C, D_NODE)
    inp["W_edge"], inp["b_edge"] = _linear_init(ks[4], C, D_EDGE)
    inp["Wz"], inp["bz"] = _linear_init(ks[5], C, C)
    inp["Wlz"], inp["blz"] = _linear_init(ks[6], C, 2 * C)
    inp["Wr"], inp["br"] = _linear_init(ks[7], C, C)
    inp["Wlr"], inp["blr"] = _linear_init(ks[8], C, 2 * C)
    inp["Wh"], inp["bh"] = _linear_init(ks[9], C, C)
    inp["Wlh"], inp["blh"] = _linear_init(ks[10], C, 2 * C)
    return inp


def _gcn_conv(x, edge_index, W, b):
    # PyG GCNConv: out = D^-1/2 (A+I) D^-1/2 (X W) + b
    num_nodes = x.shape[0]
    src = edge_index[0]
    dst = edge_index[1]
    loop = jnp.arange(num_nodes, dtype=src.dtype)
    src = jnp.concatenate([src, loop])
    dst = jnp.concatenate([dst, loop])
    deg = jnp.zeros((num_nodes,), dtype=x.dtype).at[dst].add(1.0)
    dinv = jnp.where(deg > 0, deg ** -0.5, 0.0)
    norm = dinv[src] * dinv[dst]
    h = x @ W.T
    msgs = h[src] * norm[:, None]
    out = jnp.zeros((num_nodes, h.shape[1]), dtype=x.dtype).at[dst].add(msgs)
    return out + b


def _tgcn(x, edge_index, Wz, bz, Wlz, blz, Wr, br, Wlr, blr, Wh, bh, Wlh, blh):
    # torch_geometric_temporal TGCN with H=None -> H starts at zeros
    H = jnp.zeros((x.shape[0], C), dtype=x.dtype)
    Z = jax.nn.sigmoid(jnp.concatenate([_gcn_conv(x, edge_index, Wz, bz), H], axis=1) @ Wlz.T + blz)
    R = jax.nn.sigmoid(jnp.concatenate([_gcn_conv(x, edge_index, Wr, br), H], axis=1) @ Wlr.T + blr)
    Ht = jnp.tanh(jnp.concatenate([_gcn_conv(x, edge_index, Wh, bh), H * R], axis=1) @ Wlh.T + blh)
    return Z * H + (1.0 - Z) * Ht


def reference(x, edge_index, edge_attr, return_embedding, W_node, b_node, W_edge, b_edge, Wz, bz, Wlz, blz, Wr, br, Wlr, blr, Wh, bh, Wlh, blh):
    x_enc = jax.nn.relu(x @ W_node.T + b_node)
    edge_enc = jax.nn.relu(edge_attr @ W_edge.T + b_edge)  # computed in torch forward, result unused
    H = _tgcn(x_enc, edge_index, Wz, bz, Wlz, blz, Wr, br, Wlr, blr, Wh, bh, Wlh, blh)
    # return_embedding=True path: skip O(N^2) pairwise decoder
    return H

if __name__ == "__main__":
    import jax
    _d = setup_inputs()
    print(jax.jit(kernel)(*tuple(_d.values())))

</pallas_src>

<mosaic_0001>
#map = affine_map<(d0, d1) -> (0, 0)>
#map1 = affine_map<(d0, d1) -> (0)>
module attributes {stable_mosaic.version = 14 : i64} {
  func.func @_deg_kernel(%arg0: i32, %arg1: i32, %arg2: memref<2560x128xi32, #tpu.memory_space<hbm>>, %arg3: memref<20480xf32, #tpu.memory_space<hbm>>, %arg4: memref<80x128xi32, #tpu.memory_space<vmem>>, %arg5: memref<128xf32, #tpu.memory_space<vmem>>, %arg6: memref<640xf32, #tpu.memory_space<vmem>>, %arg7: memref<10240xf32, #tpu.memory_space<vmem_shared>>, %arg8: memref<!tpu.dma_semaphore, #tpu.memory_space<semaphore_mem>>) attributes {dimension_semantics = [#tpu.dimension_semantics<core_parallel>, #tpu.dimension_semantics<subcore_parallel>], iteration_bounds = array<i64: 2, 16>, scalar_prefetch = 0 : i64, scratch_operands = 5 : i64, tpu.core_type = #tpu.core_type<sc_vector_subcore>, window_params = [{transform_indices = #map}, {transform_indices = #map1}]} {
    %mul3A = arith.constant 16 : i32
    %mul3A_0 = arith.muli %arg0, %mul3A : i32
    %add3A = arith.addi %mul3A_0, %arg1 : i32
    %mul3A_1 = arith.constant 640 : i32
    %mul3A_2 = arith.muli %arg1, %mul3A_1 : i32
    %scan3A = arith.constant 0 : i32
    %scan3A_3 = arith.constant 0 : i32
    %scan3A_4 = arith.constant 8 : i32
    %scan3A_5 = arith.addi %scan3A_3, %scan3A_4 : i32
    %scan3A_6 = arith.constant 1 : i32
    %scan3A_7 = scf.for %scan3A_36 = %scan3A_3 to %scan3A_5 step %scan3A_6 iter_args(%scan3A_37 = %scan3A) -> (i32)  : i32 {
      %broadcast_in_dim3A = arith.constant 1.000000e+00 : f32
      %broadcast_in_dim3A_38 = vector.broadcast %broadcast_in_dim3A : f32 to vector<16xf32>
      %mul3A_39 = arith.constant 16 : i32
      %mul3A_40 = arith.muli %scan3A_36, %mul3A_39 : i32
      %swap3A = arith.index_cast %mul3A_40 : i32 to index
      %swap3A_41 = tpu.vector_load %arg5[%swap3A] {strides = array<i32>} : memref<128xf32, #tpu.memory_space<vmem>>, vector<16xf32>,
      %swap3A_42 = vector.shape_cast %swap3A_41 : vector<16xf32> to vector<16xf32>
      %swap3A_43 = vector.shape_cast %broadcast_in_dim3A_38 : vector<16xf32> to vector<16xf32>
      tpu.vector_store %arg5[%swap3A], %swap3A_43 {strides = array<i32>} : memref<128xf32, #tpu.memory_space<vmem>>, vector<16xf32>,
      %scan3A_44 = arith.constant 0 : i32
      scf.yield %scan3A_44 : i32
    }
    %scan3A_8 = arith.constant 8 : i32
    %scan3A_9 = arith.constant 0 : i32
    %scan3A_10 = arith.constant 0 : i32
    %scan3A_11 = arith.constant 40 : i32
    %scan3A_12 = arith.addi %scan3A_10, %scan3A_11 : i32
    %scan3A_13 = arith.constant 1 : i32
    %scan3A_14 = scf.for %scan3A_36 = %scan3A_10 to %scan3A_12 step %scan3A_13 iter_args(%scan3A_37 = %scan3A_9) -> (i32)  : i32 {
      %broadcast_in_dim3A = arith.constant 1.000000e+00 : f32
      %broadcast_in_dim3A_38 = vector.broadcast %broadcast_in_dim3A : f32 to vector<16xf32>
      %mul3A_39 = arith.constant 16 : i32
      %mul3A_40 = arith.muli %scan3A_36, %mul3A_39 : i32
      %swap3A = arith.index_cast %mul3A_40 : i32 to index
      %swap3A_41 = tpu.vector_load %arg6[%swap3A] {strides = array<i32>} : memref<640xf32, #tpu.memory_space<vmem>>, vector<16xf32>,
      %swap3A_42 = vector.shape_cast %swap3A_41 : vector<16xf32> to vector<16xf32>
      %swap3A_43 = vector.shape_cast %broadcast_in_dim3A_38 : vector<16xf32> to vector<16xf32>
      tpu.vector_store %arg6[%swap3A], %swap3A_43 {strides = array<i32>} : memref<640xf32, #tpu.memory_space<vmem>>, vector<16xf32>,
      %scan3A_44 = arith.constant 0 : i32
      scf.yield %scan3A_44 : i32
    }
    %scan3A_15 = arith.constant 40 : i32
    %mul3A_16 = arith.constant 80 : i32
    %mul3A_17 = arith.muli %add3A, %mul3A_16 : i32
    "tpu.region"() ({
      %run_scoped3A = tpu.sem_alloc : memref<!tpu.dma_semaphore, #tpu.memory_space<semaphore_mem>>
      %dma_start3A = arith.constant 0 : i32
      %dma_start3A_36 = tpu.memref_slice %arg2[%mul3A_17, %dma_start3A] : memref<2560x128xi32, #tpu.memory_space<hbm>> -> memref<80x128xi32, #tpu.memory_space<hbm>>
      %dma_start3A_37 = arith.constant 0 : i32
      %dma_start3A_38 = tpu.memref_slice %arg2[%mul3A_17, %dma_start3A_37] : memref<2560x128xi32, #tpu.memory_space<hbm>> -> memref<80x128xi32, #tpu.memory_space<hbm>>
      tpu.enqueue_dma source(%dma_start3A_38 : memref<80x128xi32, #tpu.memory_space<hbm>>) target(%arg4 : memref<80x128xi32, #tpu.memory_space<vmem>>) target_semaphore(%run_scoped3A : memref<!tpu.dma_semaphore, #tpu.memory_space<semaphore_mem>>)
      %dma_wait3A = arith.constant 0 : i32
      %dma_wait3A_39 = tpu.memref_slice %arg2[%mul3A_17, %dma_wait3A] : memref<2560x128xi32, #tpu.memory_space<hbm>> -> memref<80x128xi32, #tpu.memory_space<hbm>>
      %dma_wait3A_40 = arith.constant 0 : i32
      %dma_wait3A_41 = tpu.memref_slice %arg2[%mul3A_17, %dma_wait3A_40] : memref<2560x128xi32, #tpu.memory_space<hbm>> -> memref<80x128xi32, #tpu.memory_space<hbm>>
      tpu.wait_dma2 semaphore(%run_scoped3A : memref<!tpu.dma_semaphore, #tpu.memory_space<semaphore_mem>>) src(%dma_wait3A_41 : memref<80x128xi32, #tpu.memory_space<hbm>>) dst(%arg4 : memref<80x128xi32, #tpu.memory_space<vmem>>)
      tpu.yield
    }) : () -> ()
    "tpu.region"() ({
      %run_scoped3A = tpu.sem_alloc : memref<!tpu.dma_semaphore, #tpu.memory_space<semaphore_mem>>
      %dma_start3A = tpu.memref_slice %arg7[%mul3A_2] : memref<10240xf32, #tpu.memory_space<vmem_shared>> -> memref<640xf32, #tpu.memory_space<vmem_shared>>
      %dma_start3A_36 = tpu.memref_slice %arg7[%mul3A_2] : memref<10240xf32, #tpu.memory_space<vmem_shared>> -> memref<640xf32, #tpu.memory_space<vmem_shared>>
      tpu.enqueue_dma source(%arg6 : memref<640xf32, #tpu.memory_space<vmem>>) target(%dma_start3A_36 : memref<640xf32, #tpu.memory_space<vmem_shared>>) target_semaphore(%run_scoped3A : memref<!tpu.dma_semaphore, #tpu.memory_space<semaphore_mem>>)
      %dma_wait3A = tpu.memref_slice %arg7[%mul3A_2] : memref<10240xf32, #tpu.memory_space<vmem_shared>> -> memref<640xf32, #tpu.memory_space<vmem_shared>>
      %dma_wait3A_37 = tpu.memref_slice %arg7[%mul3A_2] : memref<10240xf32, #tpu.memory_space<vmem_shared>> -> memref<640xf32, #tpu.memory_space<vmem_shared>>
      tpu.wait_dma2 semaphore(%run_scoped3A : memref<!tpu.dma_semaphore, #tpu.memory_space<semaphore_mem>>) src(%arg6 : memref<640xf32, #tpu.memory_space<vmem>>) dst(%dma_wait3A_37 : memref<640xf32, #tpu.memory_space<vmem_shared>>)
      tpu.yield
    }) : () -> ()
    %barrier3A = arith.constant 0 : index
    tpu.barrier barrier_id(%barrier3A)
    %scan3A_18 = arith.constant 0 : i32
    %scan3A_19 = arith.constant 0 : i32
    %scan3A_20 = arith.constant 80 : i32
    %scan3A_21 = arith.addi %scan3A_19, %scan3A_20 : i32
    %scan3A_22 = arith.constant 1 : i32
    %scan3A_23 = scf.for %scan3A_36 = %scan3A_19 to %scan3A_21 step %scan3A_22 iter_args(%scan3A_37 = %scan3A_18) -> (i32)  : i32 {
      %dma_start3A = arith.constant 0 : i32
      %dma_start3A_38 = tpu.memref_slice %arg4[%scan3A_36, %dma_start3A] : memref<80x128xi32, #tpu.memory_space<vmem>> -> memref<1x128xi32, #tpu.memory_space<vmem>>
      %dma_start3A_39 = tpu.memref_squeeze %dma_start3A_38 : memref<1x128xi32, #tpu.memory_space<vmem>> -> memref<128xi32, #tpu.memory_space<vmem>>
      %dma_start3A_40 = arith.constant 0 : i32
      %dma_start3A_41 = tpu.memref_slice %arg7[%dma_start3A_40] : memref<10240xf32, #tpu.memory_space<vmem_shared>> -> memref<10240xf32, #tpu.memory_space<vmem_shared>>
      tpu.enqueue_indirect_dma source(%arg5 : memref<128xf32, #tpu.memory_space<vmem>>) target(%dma_start3A_41 : memref<10240xf32, #tpu.memory_space<vmem_shared>>) offsets(%dma_start3A_39 : memref<128xi32, #tpu.memory_space<vmem>>) semaphore(%arg8 : memref<!tpu.dma_semaphore, #tpu.memory_space<semaphore_mem>>) {add = true}
      %scan3A_42 = arith.constant 0 : i32
      scf.yield %scan3A_42 : i32
    }
    %scan3A_24 = arith.constant 80 : i32
    %scan3A_25 = arith.constant 0 : i32
    %scan3A_26 = arith.constant 0 : i32
    %scan3A_27 = arith.constant 80 : i32
    %scan3A_28 = arith.addi %scan3A_26, %scan3A_27 : i32
    %scan3A_29 = arith.constant 1 : i32
    %scan3A_30 = scf.for %scan3A_36 = %scan3A_26 to %scan3A_28 step %scan3A_29 iter_args(%scan3A_37 = %scan3A_25) -> (i32)  : i32 {
      %dma_wait3A = arith.constant 0 : i32
      %dma_wait3A_38 = tpu.memref_slice %arg4[%scan3A_36, %dma_wait3A] : memref<80x128xi32, #tpu.memory_space<vmem>> -> memref<1x128xi32, #tpu.memory_space<vmem>>
      %dma_wait3A_39 = tpu.memref_squeeze %dma_wait3A_38 : memref<1x128xi32, #tpu.memory_space<vmem>> -> memref<128xi32, #tpu.memory_space<vmem>>
      %dma_wait3A_40 = arith.constant 0 : i32
      %dma_wait3A_41 = tpu.memref_slice %arg7[%dma_wait3A_40] : memref<10240xf32, #tpu.memory_space<vmem_shared>> -> memref<10240xf32, #tpu.memory_space<vmem_shared>>
      tpu.wait_indirect_dma semaphore(%arg8 : memref<!tpu.dma_semaphore, #tpu.memory_space<semaphore_mem>>) src(%arg5 : memref<128xf32, #tpu.memory_space<vmem>>) dst(%dma_wait3A_41 : memref<10240xf32, #tpu.memory_space<vmem_shared>>)
      %scan3A_42 = arith.constant 0 : i32
      scf.yield %scan3A_42 : i32
    }
    %scan3A_31 = arith.constant 80 : i32
    %barrier3A_32 = arith.constant 0 : index
    tpu.barrier barrier_id(%barrier3A_32)
    %mul3A_33 = arith.constant 10240 : i32
    %mul3A_34 = arith.muli %arg0, %mul3A_33 : i32
    %add3A_35 = arith.addi %mul3A_34, %mul3A_2 : i32
    "tpu.region"() ({
      %run_scoped3A = tpu.sem_alloc : memref<!tpu.dma_semaphore, #tpu.memory_space<semaphore_mem>>
      %dma_start3A = tpu.memref_slice %arg3[%add3A_35] : memref<20480xf32, #tpu.memory_space<hbm>> -> memref<640xf32, #tpu.memory_space<hbm>>
      %dma_start3A_36 = tpu.memref_slice %arg7[%mul3A_2] : memref<10240xf32, #tpu.memory_space<vmem_shared>> -> memref<640xf32, #tpu.memory_space<vmem_shared>>
      tpu.enqueue_dma source(%dma_start3A_36 : memref<640xf32, #tpu.memory_space<vmem_shared>>) target(%dma_start3A : memref<640xf32, #tpu.memory_space<hbm>>) target_semaphore(%run_scoped3A : memref<!tpu.dma_semaphore, #tpu.memory_space<semaphore_mem>>)
      %dma_wait3A = tpu.memref_slice %arg3[%add3A_35] : memref<20480xf32, #tpu.memory_space<hbm>> -> memref<640xf32, #tpu.memory_space<hbm>>
      %dma_wait3A_37 = tpu.memref_slice %arg7[%mul3A_2] : memref<10240xf32, #tpu.memory_space<vmem_shared>> -> memref<640xf32, #tpu.memory_space<vmem_shared>>
      tpu.wait_dma2 semaphore(%run_scoped3A : memref<!tpu.dma_semaphore, #tpu.memory_space<semaphore_mem>>) src(%dma_wait3A_37 : memref<640xf32, #tpu.memory_space<vmem_shared>>) dst(%dma_wait3A : memref<640xf32, #tpu.memory_space<hbm>>)
      tpu.yield
    }) : () -> ()
    return
  }
}

#map = affine_map<(d0, d1) -> (0, 0)>
#map1 = affine_map<(d0, d1) -> (0, 0, 0)>
module attributes {stable_mosaic.version = 14 : i64} {
  func.func @_agg_kernel(%arg0: i32, %arg1: i32, %arg2: memref<2560x128xi32, #tpu.memory_space<hbm>>, %arg3: memref<10240x128xf32, #tpu.memory_space<hbm>>, %arg4: memref<2x10240x128xf32, #tpu.memory_space<hbm>>, %arg5: memref<80x128xi32, #tpu.memory_space<vmem>>, %arg6: memref<128xi32, #tpu.memory_space<vmem>>, %arg7: memref<128xi32, #tpu.memory_space<vmem>>, %arg8: memref<128xi32, #tpu.memory_space<vmem>>, %arg9: memref<128xi32, #tpu.memory_space<vmem>>, %arg10: memref<128x128xf32, #tpu.memory_space<vmem>>, %arg11: memref<128x128xf32, #tpu.memory_space<vmem>>, %arg12: memref<10240x128xf32, #tpu.memory_space<vmem_shared>>, %arg13: memref<!tpu.dma_semaphore, #tpu.memory_space<semaphore_mem>>, %arg14: memref<!tpu.dma_semaphore, #tpu.memory_space<semaphore_mem>>, %arg15: memref<!tpu.dma_semaphore, #tpu.memory_space<semaphore_mem>>, %arg16: memref<!tpu.dma_semaphore, #tpu.memory_space<semaphore_mem>>) attributes {dimension_semantics = [#tpu.dimension_semantics<core_parallel>, #tpu.dimension_semantics<subcore_parallel>], iteration_bounds = array<i64: 2, 16>, scalar_prefetch = 0 : i64, scratch_operands = 12 : i64, tpu.core_type = #tpu.core_type<sc_vector_subcore>, window_params = [{transform_indices = #map}, {transform_indices = #map}, {transform_indices = #map1}]} {
    %mul3A = arith.constant 16 : i32
    %mul3A_0 = arith.muli %arg0, %mul3A : i32
    %add3A = arith.addi %mul3A_0, %arg1 : i32
    %mul3A_1 = arith.constant 640 : i32
    %mul3A_2 = arith.muli %arg1, %mul3A_1 : i32
    %dma_start3A = arith.constant 0 : i32
    %dma_start3A_3 = tpu.memref_slice %arg12[%mul3A_2, %dma_start3A] : memref<10240x128xf32, #tpu.memory_space<vmem_shared>> -> memref<640x128xf32, #tpu.memory_space<vmem_shared>>
    %dma_start3A_4 = arith.constant 0 : i32
    %dma_start3A_5 = tpu.memref_slice %arg3[%mul3A_2, %dma_start3A_4] : memref<10240x128xf32, #tpu.memory_space<hbm>> -> memref<640x128xf32, #tpu.memory_space<hbm>>
    tpu.enqueue_dma source(%dma_start3A_5 : memref<640x128xf32, #tpu.memory_space<hbm>>) target(%dma_start3A_3 : memref<640x128xf32, #tpu.memory_space<vmem_shared>>) target_semaphore(%arg16 : memref<!tpu.dma_semaphore, #tpu.memory_space<semaphore_mem>>)
    %mul3A_6 = arith.constant 80 : i32
    %mul3A_7 = arith.muli %add3A, %mul3A_6 : i32
    %dma_start3A_8 = arith.constant 0 : i32
    %dma_start3A_9 = tpu.memref_slice %arg2[%mul3A_7, %dma_start3A_8] : memref<2560x128xi32, #tpu.memory_space<hbm>> -> memref<80x128xi32, #tpu.memory_space<hbm>>
    %dma_start3A_10 = arith.constant 0 : i32
    %dma_start3A_11 = tpu.memref_slice %arg2[%mul3A_7, %dma_start3A_10] : memref<2560x128xi32, #tpu.memory_space<hbm>> -> memref<80x128xi32, #tpu.memory_space<hbm>>
    tpu.enqueue_dma source(%dma_start3A_11 : memref<80x128xi32, #tpu.memory_space<hbm>>) target(%arg5 : memref<80x128xi32, #tpu.memory_space<vmem>>) target_semaphore(%arg14 : memref<!tpu.dma_semaphore, #tpu.memory_space<semaphore_mem>>)
    %mul3A_12 = arith.constant 80 : i32
    %mul3A_13 = arith.muli %add3A, %mul3A_12 : i32
    %dma_wait3A = arith.constant 0 : i32
    %dma_wait3A_14 = tpu.memref_slice %arg2[%mul3A_13, %dma_wait3A] : memref<2560x128xi32, #tpu.memory_space<hbm>> -> memref<80x128xi32, #tpu.memory_space<hbm>>
    %dma_wait3A_15 = arith.constant 0 : i32
    %dma_wait3A_16 = tpu.memref_slice %arg2[%mul3A_13, %dma_wait3A_15] : memref<2560x128xi32, #tpu.memory_space<hbm>> -> memref<80x128xi32, #tpu.memory_space<hbm>>
    tpu.wait_dma2 semaphore(%arg14 : memref<!tpu.dma_semaphore, #tpu.memory_space<semaphore_mem>>) src(%dma_wait3A_16 : memref<80x128xi32, #tpu.memory_space<hbm>>) dst(%arg5 : memref<80x128xi32, #tpu.memory_space<vmem>>)
    %get3A = arith.constant 0 : i32
    %get3A_17 = arith.index_cast %get3A : i32 to index
    %get3A_18 = arith.constant 0 : index
    %get3A_19 = tpu.vector_load %arg5[%get3A_17, %get3A_18] {strides = array<i32>} : memref<80x128xi32, #tpu.memory_space<vmem>>, vector<1x16xi32>,
    %get3A_20 = vector.shape_cast %get3A_19 : vector<1x16xi32> to vector<16xi32>
    %and3A = arith.constant 65535 : i32
    %and3A_21 = vector.broadcast %and3A : i32 to vector<16xi32>
    %and3A_22 = arith.andi %get3A_20, %and3A_21 : vector<16xi32>
    %swap3A = arith.constant 0 : index
    %swap3A_23 = tpu.vector_load %arg6[%swap3A] {strides = array<i32>} : memref<128xi32, #tpu.memory_space<vmem>>, vector<16xi32>,
    %swap3A_24 = vector.shape_cast %swap3A_23 : vector<16xi32> to vector<16xi32>
    %swap3A_25 = vector.shape_cast %and3A_22 : vector<16xi32> to vector<16xi32>
    tpu.vector_store %arg6[%swap3A], %swap3A_25 {strides = array<i32>} : memref<128xi32, #tpu.memory_space<vmem>>, vector<16xi32>,
    %shift_right_arithmetic3A = arith.constant 16 : i32
    %shift_right_arithmetic3A_26 = vector.broadcast %shift_right_arithmetic3A : i32 to vector<16xi32>
    %shift_right_arithmetic3A_27 = arith.shrsi %get3A_20, %shift_right_arithmetic3A_26 : vector<16xi32>
    %swap3A_28 = arith.constant 0 : index
    %swap3A_29 = tpu.vector_load %arg7[%swap3A_28] {strides = array<i32>} : memref<128xi32, #tpu.memory_space<vmem>>, vector<16xi32>,
    %swap3A_30 = vector.shape_cast %swap3A_29 : vector<16xi32> to vector<16xi32>
    %swap3A_31 = vector.shape_cast %shift_right_arithmetic3A_27 : vector<16xi32> to vector<16xi32>
    tpu.vector_store %arg7[%swap3A_28], %swap3A_31 {strides = array<i32>} : memref<128xi32, #tpu.memory_space<vmem>>, vector<16xi32>,
    %get3A_32 = arith.constant 0 : i32
    %get3A_33 = arith.index_cast %get3A_32 : i32 to index
    %get3A_34 = arith.constant 16 : index
    %get3A_35 = tpu.vector_load %arg5[%get3A_33, %get3A_34] {strides = array<i32>} : memref<80x128xi32, #tpu.memory_space<vmem>>, vector<1x16xi32>,
    %get3A_36 = vector.shape_cast %get3A_35 : vector<1x16xi32> to vector<16xi32>
    %and3A_37 = arith.constant 65535 : i32
    %and3A_38 = vector.broadcast %and3A_37 : i32 to vector<16xi32>
    %and3A_39 = arith.andi %get3A_36, %and3A_38 : vector<16xi32>
    %swap3A_40 = arith.constant 16 : index
    %swap3A_41 = tpu.vector_load %arg6[%swap3A_40] {strides = array<i32>} : memref<128xi32, #tpu.memory_space<vmem>>, vector<16xi32>,
    %swap3A_42 = vector.shape_cast %swap3A_41 : vector<16xi32> to vector<16xi32>
    %swap3A_43 = vector.shape_cast %and3A_39 : vector<16xi32> to vector<16xi32>
    tpu.vector_store %arg6[%swap3A_40], %swap3A_43 {strides = array<i32>} : memref<128xi32, #tpu.memory_space<vmem>>, vector<16xi32>,
    %shift_right_arithmetic3A_44 = arith.constant 16 : i32
    %shift_right_arithmetic3A_45 = vector.broadcast %shift_right_arithmetic3A_44 : i32 to vector<16xi32>
    %shift_right_arithmetic3A_46 = arith.shrsi %get3A_36, %shift_right_arithmetic3A_45 : vector<16xi32>
    %swap3A_47 = arith.constant 16 : index
    %swap3A_48 = tpu.vector_load %arg7[%swap3A_47] {strides = array<i32>} : memref<128xi32, #tpu.memory_space<vmem>>, vector<16xi32>,
    %swap3A_49 = vector.shape_cast %swap3A_48 : vector<16xi32> to vector<16xi32>
    %swap3A_50 = vector.shape_cast %shift_right_arithmetic3A_46 : vector<16xi32> to vector<16xi32>
    tpu.vector_store %arg7[%swap3A_47], %swap3A_50 {strides = array<i32>} : memref<128xi32, #tpu.memory_space<vmem>>, vector<16xi32>,
    %get3A_51 = arith.constant 0 : i32
    %get3A_52 = arith.index_cast %get3A_51 : i32 to index
    %get3A_53 = arith.constant 32 : index
    %get3A_54 = tpu.vector_load %arg5[%get3A_52, %get3A_53] {strides = array<i32>} : memref<80x128xi32, #tpu.memory_space<vmem>>, vector<1x16xi32>,
    %get3A_55 = vector.shape_cast %get3A_54 : vector<1x16xi32> to vector<16xi32>
    %and3A_56 = arith.constant 65535 : i32
    %and3A_57 = vector.broadcast %and3A_56 : i32 to vector<16xi32>
    %and3A_58 = arith.andi %get3A_55, %and3A_57 : vector<16xi32>
    %swap3A_59 = arith.constant 32 : index
    %swap3A_60 = tpu.vector_load %arg6[%swap3A_59] {strides = array<i32>} : memref<128xi32, #tpu.memory_space<vmem>>, vector<16xi32>,
    %swap3A_61 = vector.shape_cast %swap3A_60 : vector<16xi32> to vector<16xi32>
    %swap3A_62 = vector.shape_cast %and3A_58 : vector<16xi32> to vector<16xi32>
    tpu.vector_store %arg6[%swap3A_59], %swap3A_62 {strides = array<i32>} : memref<128xi32, #tpu.memory_space<vmem>>, vector<16xi32>,
    %shift_right_arithmetic3A_63 = arith.constant 16 : i32
    %shift_right_arithmetic3A_64 = vector.broadcast %shift_right_arithmetic3A_63 : i32 to vector<16xi32>
    %shift_right_arithmetic3A_65 = arith.shrsi %get3A_55, %shift_right_arithmetic3A_64 : vector<16xi32>
    %swap3A_66 = arith.constant 32 : index
    %swap3A_67 = tpu.vector_load %arg7[%swap3A_66] {strides = array<i32>} : memref<128xi32, #tpu.memory_space<vmem>>, vector<16xi32>,
    %swap3A_68 = vector.shape_cast %swap3A_67 : vector<16xi32> to vector<16xi32>
    %swap3A_69 = vector.shape_cast %shift_right_arithmetic3A_65 : vector<16xi32> to vector<16xi32>
    tpu.vector_store %arg7[%swap3A_66], %swap3A_69 {strides = array<i32>} : memref<128xi32, #tpu.memory_space<vmem>>, vector<16xi32>,
    %get3A_70 = arith.constant 0 : i32
    %get3A_71 = arith.index_cast %get3A_70 : i32 to index
    %get3A_72 = arith.constant 48 : index
    %get3A_73 = tpu.vector_load %arg5[%get3A_71, %get3A_72] {strides = array<i32>} : memref<80x128xi32, #tpu.memory_space<vmem>>, vector<1x16xi32>,
    %get3A_74 = vector.shape_cast %get3A_73 : vector<1x16xi32> to vector<16xi32>
    %and3A_75 = arith.constant 65535 : i32
    %and3A_76 = vector.broadcast %and3A_75 : i32 to vector<16xi32>
    %and3A_77 = arith.andi %get3A_74, %and3A_76 : vector<16xi32>
    %swap3A_78 = arith.constant 48 : index
    %swap3A_79 = tpu.vector_load %arg6[%swap3A_78] {strides = array<i32>} : memref<128xi32, #tpu.memory_space<vmem>>, vector<16xi32>,
    %swap3A_80 = vector.shape_cast %swap3A_79 : vector<16xi32> to vector<16xi32>
    %swap3A_81 = vector.shape_cast %and3A_77 : vector<16xi32> to vector<16xi32>
    tpu.vector_store %arg6[%swap3A_78], %swap3A_81 {strides = array<i32>} : memref<128xi32, #tpu.memory_space<vmem>>, vector<16xi32>,
    %shift_right_arithmetic3A_82 = arith.constant 16 : i32
    %shift_right_arithmetic3A_83 = vector.broadcast %shift_right_arithmetic3A_82 : i32 to vector<16xi32>
    %shift_right_arithmetic3A_84 = arith.shrsi %get3A_74, %shift_right_arithmetic3A_83 : vector<16xi32>
    %swap3A_85 = arith.constant 48 : index
    %swap3A_86 = tpu.vector_load %arg7[%swap3A_85] {strides = array<i32>} : memref<128xi32, #tpu.memory_space<vmem>>, vector<16xi32>,
    %swap3A_87 = vector.shape_cast %swap3A_86 : vector<16xi32> to vector<16xi32>
    %swap3A_88 = vector.shape_cast %shift_right_arithmetic3A_84 : vector<16xi32> to vector<16xi32>
    tpu.vector_store %arg7[%swap3A_85], %swap3A_88 {strides = array<i32>} : memref<128xi32, #tpu.memory_space<vmem>>, vector<16xi32>,
    %get3A_89 = arith.constant 0 : i32
    %get3A_90 = arith.index_cast %get3A_89 : i32 to index
    %get3A_91 = arith.constant 64 : index
    %get3A_92 = tpu.vector_load %arg5[%get3A_90, %get3A_91] {strides = array<i32>} : memref<80x128xi32, #tpu.memory_space<vmem>>, vector<1x16xi32>,
    %get3A_93 = vector.shape_cast %get3A_92 : vector<1x16xi32> to vector<16xi32>
    %and3A_94 = arith.constant 65535 : i32
    %and3A_95 = vector.broadcast %and3A_94 : i32 to vector<16xi32>
    %and3A_96 = arith.andi %get3A_93, %and3A_95 : vector<16xi32>
    %swap3A_97 = arith.constant 64 : index
    %swap3A_98 = tpu.vector_load %arg6[%swap3A_97] {strides = array<i32>} : memref<128xi32, #tpu.memory_space<vmem>>, vector<16xi32>,
    %swap3A_99 = vector.shape_cast %swap3A_98 : vector<16xi32> to vector<16xi32>
    %swap3A_100 = vector.shape_cast %and3A_96 : vector<16xi32> to vector<16xi32>
    tpu.vector_store %arg6[%swap3A_97], %swap3A_100 {strides = array<i32>} : memref<128xi32, #tpu.memory_space<vmem>>, vector<16xi32>,
    %shift_right_arithmetic3A_101 = arith.constant 16 : i32
    %shift_right_arithmetic3A_102 = vector.broadcast %shift_right_arithmetic3A_101 : i32 to vector<16xi32>
    %shift_right_arithmetic3A_103 = arith.shrsi %get3A_93, %shift_right_arithmetic3A_102 : vector<16xi32>
    %swap3A_104 = arith.constant 64 : index
    %swap3A_105 = tpu.vector_load %arg7[%swap3A_104] {strides = array<i32>} : memref<128xi32, #tpu.memory_space<vmem>>, vector<16xi32>,
    %swap3A_106 = vector.shape_cast %swap3A_105 : vector<16xi32> to vector<16xi32>
    %swap3A_107 = vector.shape_cast %shift_right_arithmetic3A_103 : vector<16xi32> to vector<16xi32>
    tpu.vector_store %arg7[%swap3A_104], %swap3A_107 {strides = array<i32>} : memref<128xi32, #tpu.memory_space<vmem>>, vector<16xi32>,
    %get3A_108 = arith.constant 0 : i32
    %get3A_109 = arith.index_cast %get3A_108 : i32 to index
    %get3A_110 = arith.constant 80 : index
    %get3A_111 = tpu.vector_load %arg5[%get3A_109, %get3A_110] {strides = array<i32>} : memref<80x128xi32, #tpu.memory_space<vmem>>, vector<1x16xi32>,
    %get3A_112 = vector.shape_cast %get3A_111 : vector<1x16xi32> to vector<16xi32>
    %and3A_113 = arith.constant 65535 : i32
    %and3A_114 = vector.broadcast %and3A_113 : i32 to vector<16xi32>
    %and3A_115 = arith.andi %get3A_112, %and3A_114 : vector<16xi32>
    %swap3A_116 = arith.constant 80 : index
    %swap3A_117 = tpu.vector_load %arg6[%swap3A_116] {strides = array<i32>} : memref<128xi32, #tpu.memory_space<vmem>>, vector<16xi32>,
    %swap3A_118 = vector.shape_cast %swap3A_117 : vector<16xi32> to vector<16xi32>
    %swap3A_119 = vector.shape_cast %and3A_115 : vector<16xi32> to vector<16xi32>
    tpu.vector_store %arg6[%swap3A_116], %swap3A_119 {strides = array<i32>} : memref<128xi32, #tpu.memory_space<vmem>>, vector<16xi32>,
    %shift_right_arithmetic3A_120 = arith.constant 16 : i32
    %shift_right_arithmetic3A_121 = vector.broadcast %shift_right_arithmetic3A_120 : i32 to vector<16xi32>
    %shift_right_arithmetic3A_122 = arith.shrsi %get3A_112, %shift_right_arithmetic3A_121 : vector<16xi32>
    %swap3A_123 = arith.constant 80 : index
    %swap3A_124 = tpu.vector_load %arg7[%swap3A_123] {strides = array<i32>} : memref<128xi32, #tpu.memory_space<vmem>>, vector<16xi32>,
    %swap3A_125 = vector.shape_cast %swap3A_124 : vector<16xi32> to vector<16xi32>
    %swap3A_126 = vector.shape_cast %shift_right_arithmetic3A_122 : vector<16xi32> to vector<16xi32>
    tpu.vector_store %arg7[%swap3A_123], %swap3A_126 {strides = array<i32>} : memref<128xi32, #tpu.memory_space<vmem>>, vector<16xi32>,
    %get3A_127 = arith.constant 0 : i32
    %get3A_128 = arith.index_cast %get3A_127 : i32 to index
    %get3A_129 = arith.constant 96 : index
    %get3A_130 = tpu.vector_load %arg5[%get3A_128, %get3A_129] {strides = array<i32>} : memref<80x128xi32, #tpu.memory_space<vmem>>, vector<1x16xi32>,
    %get3A_131 = vector.shape_cast %get3A_130 : vector<1x16xi32> to vector<16xi32>
    %and3A_132 = arith.constant 65535 : i32
    %and3A_133 = vector.broadcast %and3A_132 : i32 to vector<16xi32>
    %and3A_134 = arith.andi %get3A_131, %and3A_133 : vector<16xi32>
    %swap3A_135 = arith.constant 96 : index
    %swap3A_136 = tpu.vector_load %arg6[%swap3A_135] {strides = array<i32>} : memref<128xi32, #tpu.memory_space<vmem>>, vector<16xi32>,
    %swap3A_137 = vector.shape_cast %swap3A_136 : vector<16xi32> to vector<16xi32>
    %swap3A_138 = vector.shape_cast %and3A_134 : vector<16xi32> to vector<16xi32>
    tpu.vector_store %arg6[%swap3A_135], %swap3A_138 {strides = array<i32>} : memref<128xi32, #tpu.memory_space<vmem>>, vector<16xi32>,
    %shift_right_arithmetic3A_139 = arith.constant 16 : i32
    %shift_right_arithmetic3A_140 = vector.broadcast %shift_right_arithmetic3A_139 : i32 to vector<16xi32>
    %shift_right_arithmetic3A_141 = arith.shrsi %get3A_131, %shift_right_arithmetic3A_140 : vector<16xi32>
    %swap3A_142 = arith.constant 96 : index
    %swap3A_143 = tpu.vector_load %arg7[%swap3A_142] {strides = array<i32>} : memref<128xi32, #tpu.memory_space<vmem>>, vector<16xi32>,
    %swap3A_144 = vector.shape_cast %swap3A_143 : vector<16xi32> to vector<16xi32>
    %swap3A_145 = vector.shape_cast %shift_right_arithmetic3A_141 : vector<16xi32> to vector<16xi32>
    tpu.vector_store %arg7[%swap3A_142], %swap3A_145 {strides = array<i32>} : memref<128xi32, #tpu.memory_space<vmem>>, vector<16xi32>,
    %get3A_146 = arith.constant 0 : i32
    %get3A_147 = arith.index_cast %get3A_146 : i32 to index
    %get3A_148 = arith.constant 112 : index
    %get3A_149 = tpu.vector_load %arg5[%get3A_147, %get3A_148] {strides = array<i32>} : memref<80x128xi32, #tpu.memory_space<vmem>>, vector<1x16xi32>,
    %get3A_150 = vector.shape_cast %get3A_149 : vector<1x16xi32> to vector<16xi32>
    %and3A_151 = arith.constant 65535 : i32
    %and3A_152 = vector.broadcast %and3A_151 : i32 to vector<16xi32>
    %and3A_153 = arith.andi %get3A_150, %and3A_152 : vector<16xi32>
    %swap3A_154 = arith.constant 112 : index
    %swap3A_155 = tpu.vector_load %arg6[%swap3A_154] {strides = array<i32>} : memref<128xi32, #tpu.memory_space<vmem>>, vector<16xi32>,
    %swap3A_156 = vector.shape_cast %swap3A_155 : vector<16xi32> to vector<16xi32>
    %swap3A_157 = vector.shape_cast %and3A_153 : vector<16xi32> to vector<16xi32>
    tpu.vector_store %arg6[%swap3A_154], %swap3A_157 {strides = array<i32>} : memref<128xi32, #tpu.memory_space<vmem>>, vector<16xi32>,
    %shift_right_arithmetic3A_158 = arith.constant 16 : i32
    %shift_right_arithmetic3A_159 = vector.broadcast %shift_right_arithmetic3A_158 : i32 to vector<16xi32>
    %shift_right_arithmetic3A_160 = arith.shrsi %get3A_150, %shift_right_arithmetic3A_159 : vector<16xi32>
    %swap3A_161 = arith.constant 112 : index
    %swap3A_162 = tpu.vector_load %arg7[%swap3A_161] {strides = array<i32>} : memref<128xi32, #tpu.memory_space<vmem>>, vector<16xi32>,
    %swap3A_163 = vector.shape_cast %swap3A_162 : vector<16xi32> to vector<16xi32>
    %swap3A_164 = vector.shape_cast %shift_right_arithmetic3A_160 : vector<16xi32> to vector<16xi32>
    tpu.vector_store %arg7[%swap3A_161], %swap3A_164 {strides = array<i32>} : memref<128xi32, #tpu.memory_space<vmem>>, vector<16xi32>,
    %dma_start3A_165 = arith.constant 0 : i32
    %dma_start3A_166 = arith.constant 0 : i32
    %dma_start3A_167 = tpu.memref_slice %arg3[%dma_start3A_165, %dma_start3A_166] : memref<10240x128xf32, #tpu.memory_space<hbm>> -> memref<10240x128xf32, #tpu.memory_space<hbm>>
    tpu.enqueue_indirect_dma source(%dma_start3A_167 : memref<10240x128xf32, #tpu.memory_space<hbm>>) target(%arg10 : memref<128x128xf32, #tpu.memory_space<vmem>>) offsets(%arg6 : memref<128xi32, #tpu.memory_space<vmem>>) semaphore(%arg13 : memref<!tpu.dma_semaphore, #tpu.memory_space<semaphore_mem>>)
    %get3A_168 = arith.constant 1 : i32
    %get3A_169 = arith.index_cast %get3A_168 : i32 to index
    %get3A_170 = arith.constant 0 : index
    %get3A_171 = tpu.vector_load %arg5[%get3A_169, %get3A_170] {strides = array<i32>} : memref<80x128xi32, #tpu.memory_space<vmem>>, vector<1x16xi32>,
    %get3A_172 = vector.shape_cast %get3A_171 : vector<1x16xi32> to vector<16xi32>
    %and3A_173 = arith.constant 65535 : i32
    %and3A_174 = vector.broadcast %and3A_173 : i32 to vector<16xi32>
    %and3A_175 = arith.andi %get3A_172, %and3A_174 : vector<16xi32>
    %swap3A_176 = arith.constant 0 : index
    %swap3A_177 = tpu.vector_load %arg8[%swap3A_176] {strides = array<i32>} : memref<128xi32, #tpu.memory_space<vmem>>, vector<16xi32>,
    %swap3A_178 = vector.shape_cast %swap3A_177 : vector<16xi32> to vector<16xi32>
    %swap3A_179 = vector.shape_cast %and3A_175 : vector<16xi32> to vector<16xi32>
    tpu.vector_store %arg8[%swap3A_176], %swap3A_179 {strides = array<i32>} : memref<128xi32, #tpu.memory_space<vmem>>, vector<16xi32>,
    %shift_right_arithmetic3A_180 = arith.constant 16 : i32
    %shift_right_arithmetic3A_181 = vector.broadcast %shift_right_arithmetic3A_180 : i32 to vector<16xi32>
    %shift_right_arithmetic3A_182 = arith.shrsi %get3A_172, %shift_right_arithmetic3A_181 : vector<16xi32>
    %swap3A_183 = arith.constant 0 : index
    %swap3A_184 = tpu.vector_load %arg9[%swap3A_183] {strides = array<i32>} : memref<128xi32, #tpu.memory_space<vmem>>, vector<16xi32>,
    %swap3A_185 = vector.shape_cast %swap3A_184 : vector<16xi32> to vector<16xi32>
    %swap3A_186 = vector.shape_cast %shift_right_arithmetic3A_182 : vector<16xi32> to vector<16xi32>
    tpu.vector_store %arg9[%swap3A_183], %swap3A_186 {strides = array<i32>} : memref<128xi32, #tpu.memory_space<vmem>>, vector<16xi32>,
    %get3A_187 = arith.constant 1 : i32
    %get3A_188 = arith.index_cast %get3A_187 : i32 to index
    %get3A_189 = arith.constant 16 : index
    %get3A_190 = tpu.vector_load %arg5[%get3A_188, %get3A_189] {strides = array<i32>} : memref<80x128xi32, #tpu.memory_space<vmem>>, vector<1x16xi32>,
    %get3A_191 = vector.shape_cast %get3A_190 : vector<1x16xi32> to vector<16xi32>
    %and3A_192 = arith.constant 65535 : i32
    %and3A_193 = vector.broadcast %and3A_192 : i32 to vector<16xi32>
    %and3A_194 = arith.andi %get3A_191, %and3A_193 : vector<16xi32>
    %swap3A_195 = arith.constant 16 : index
    %swap3A_196 = tpu.vector_load %arg8[%swap3A_195] {strides = array<i32>} : memref<128xi32, #tpu.memory_space<vmem>>, vector<16xi32>,
    %swap3A_197 = vector.shape_cast %swap3A_196 : vector<16xi32> to vector<16xi32>
    %swap3A_198 = vector.shape_cast %and3A_194 : vector<16xi32> to vector<16xi32>
    tpu.vector_store %arg8[%swap3A_195], %swap3A_198 {strides = array<i32>} : memref<128xi32, #tpu.memory_space<vmem>>, vector<16xi32>,
    %shift_right_arithmetic3A_199 = arith.constant 16 : i32
    %shift_right_arithmetic3A_200 = vector.broadcast %shift_right_arithmetic3A_199 : i32 to vector<16xi32>
    %shift_right_arithmetic3A_201 = arith.shrsi %get3A_191, %shift_right_arithmetic3A_200 : vector<16xi32>
    %swap3A_202 = arith.constant 16 : index
    %swap3A_203 = tpu.vector_load %arg9[%swap3A_202] {strides = array<i32>} : memref<128xi32, #tpu.memory_space<vmem>>, vector<16xi32>,
    %swap3A_204 = vector.shape_cast %swap3A_203 : vector<16xi32> to vector<16xi32>
    %swap3A_205 = vector.shape_cast %shift_right_arithmetic3A_201 : vector<16xi32> to vector<16xi32>
    tpu.vector_store %arg9[%swap3A_202], %swap3A_205 {strides = array<i32>} : memref<128xi32, #tpu.memory_space<vmem>>, vector<16xi32>,
    %get3A_206 = arith.constant 1 : i32
    %get3A_207 = arith.index_cast %get3A_206 : i32 to index
    %get3A_208 = arith.constant 32 : index
    %get3A_209 = tpu.vector_load %arg5[%get3A_207, %get3A_208] {strides = array<i32>} : memref<80x128xi32, #tpu.memory_space<vmem>>, vector<1x16xi32>,
    %get3A_210 = vector.shape_cast %get3A_209 : vector<1x16xi32> to vector<16xi32>
    %and3A_211 = arith.constant 65535 : i32
    %and3A_212 = vector.broadcast %and3A_211 : i32 to vector<16xi32>
    %and3A_213 = arith.andi %get3A_210, %and3A_212 : vector<16xi32>
    %swap3A_214 = arith.constant 32 : index
    %swap3A_215 = tpu.vector_load %arg8[%swap3A_214] {strides = array<i32>} : memref<128xi32, #tpu.memory_space<vmem>>, vector<16xi32>,
    %swap3A_216 = vector.shape_cast %swap3A_215 : vector<16xi32> to vector<16xi32>
    %swap3A_217 = vector.shape_cast %and3A_213 : vector<16xi32> to vector<16xi32>
    tpu.vector_store %arg8[%swap3A_214], %swap3A_217 {strides = array<i32>} : memref<128xi32, #tpu.memory_space<vmem>>, vector<16xi32>,
    %shift_right_arithmetic3A_218 = arith.constant 16 : i32
    %shift_right_arithmetic3A_219 = vector.broadcast %shift_right_arithmetic3A_218 : i32 to vector<16xi32>
    %shift_right_arithmetic3A_220 = arith.shrsi %get3A_210, %shift_right_arithmetic3A_219 : vector<16xi32>
    %swap3A_221 = arith.constant 32 : index
    %swap3A_222 = tpu.vector_load %arg9[%swap3A_221] {strides = array<i32>} : memref<128xi32, #tpu.memory_space<vmem>>, vector<16xi32>,
    %swap3A_223 = vector.shape_cast %swap3A_222 : vector<16xi32> to vector<16xi32>
    %swap3A_224 = vector.shape_cast %shift_right_arithmetic3A_220 : vector<16xi32> to vector<16xi32>
    tpu.vector_store %arg9[%swap3A_221], %swap3A_224 {strides = array<i32>} : memref<128xi32, #tpu.memory_space<vmem>>, vector<16xi32>,
    %get3A_225 = arith.constant 1 : i32
    %get3A_226 = arith.index_cast %get3A_225 : i32 to index
    %get3A_227 = arith.constant 48 : index
    %get3A_228 = tpu.vector_load %arg5[%get3A_226, %get3A_227] {strides = array<i32>} : memref<80x128xi32, #tpu.memory_space<vmem>>, vector<1x16xi32>,
    %get3A_229 = vector.shape_cast %get3A_228 : vector<1x16xi32> to vector<16xi32>
    %and3A_230 = arith.constant 65535 : i32
    %and3A_231 = vector.broadcast %and3A_230 : i32 to vector<16xi32>
    %and3A_232 = arith.andi %get3A_229, %and3A_231 : vector<16xi32>
    %swap3A_233 = arith.constant 48 : index
    %swap3A_234 = tpu.vector_load %arg8[%swap3A_233] {strides = array<i32>} : memref<128xi32, #tpu.memory_space<vmem>>, vector<16xi32>,
    %swap3A_235 = vector.shape_cast %swap3A_234 : vector<16xi32> to vector<16xi32>
    %swap3A_236 = vector.shape_cast %and3A_232 : vector<16xi32> to vector<16xi32>
    tpu.vector_store %arg8[%swap3A_233], %swap3A_236 {strides = array<i32>} : memref<128xi32, #tpu.memory_space<vmem>>, vector<16xi32>,
    %shift_right_arithmetic3A_237 = arith.constant 16 : i32
    %shift_right_arithmetic3A_238 = vector.broadcast %shift_right_arithmetic3A_237 : i32 to vector<16xi32>
    %shift_right_arithmetic3A_239 = arith.shrsi %get3A_229, %shift_right_arithmetic3A_238 : vector<16xi32>
    %swap3A_240 = arith.constant 48 : index
    %swap3A_241 = tpu.vector_load %arg9[%swap3A_240] {strides = array<i32>} : memref<128xi32, #tpu.memory_space<vmem>>, vector<16xi32>,
    %swap3A_242 = vector.shape_cast %swap3A_241 : vector<16xi32> to vector<16xi32>
    %swap3A_243 = vector.shape_cast %shift_right_arithmetic3A_239 : vector<16xi32> to vector<16xi32>
    tpu.vector_store %arg9[%swap3A_240], %swap3A_243 {strides = array<i32>} : memref<128xi32, #tpu.memory_space<vmem>>, vector<16xi32>,
    %get3A_244 = arith.constant 1 : i32
    %get3A_245 = arith.index_cast %get3A_244 : i32 to index
    %get3A_246 = arith.constant 64 : index
    %get3A_247 = tpu.vector_load %arg5[%get3A_245, %get3A_246] {strides = array<i32>} : memref<80x128xi32, #tpu.memory_space<vmem>>, vector<1x16xi32>,
    %get3A_248 = vector.shape_cast %get3A_247 : vector<1x16xi32> to vector<16xi32>
    %and3A_249 = arith.constant 65535 : i32
    %and3A_250 = vector.broadcast %and3A_249 : i32 to vector<16xi32>
    %and3A_251 = arith.andi %get3A_248, %and3A_250 : vector<16xi32>
    %swap3A_252 = arith.constant 64 : index
    %swap3A_253 = tpu.vector_load %arg8[%swap3A_252] {strides = array<i32>} : memref<128xi32, #tpu.memory_space<vmem>>, vector<16xi32>,
    %swap3A_254 = vector.shape_cast %swap3A_253 : vector<16xi32> to vector<16xi32>
    %swap3A_255 = vector.shape_cast %and3A_251 : vector<16xi32> to vector<16xi32>
    tpu.vector_store %arg8[%swap3A_252], %swap3A_255 {strides = array<i32>} : memref<128xi32, #tpu.memory_space<vmem>>, vector<16xi32>,
    %shift_right_arithmetic3A_256 = arith.constant 16 : i32
    %shift_right_arithmetic3A_257 = vector.broadcast %shift_right_arithmetic3A_256 : i32 to vector<16xi32>
    %shift_right_arithmetic3A_258 = arith.shrsi %get3A_248, %shift_right_arithmetic3A_257 : vector<16xi32>
    %swap3A_259 = arith.constant 64 : index
    %swap3A_260 = tpu.vector_load %arg9[%swap3A_259] {strides = array<i32>} : memref<128xi32, #tpu.memory_space<vmem>>, vector<16xi32>,
    %swap3A_261 = vector.shape_cast %swap3A_260 : vector<16xi32> to vector<16xi32>
    %swap3A_262 = vector.shape_cast %shift_right_arithmetic3A_258 : vector<16xi32> to vector<16xi32>
    tpu.vector_store %arg9[%swap3A_259], %swap3A_262 {strides = array<i32>} : memref<128xi32, #tpu.memory_space<vmem>>, vector<16xi32>,
    %get3A_263 = arith.constant 1 : i32
    %get3A_264 = arith.index_cast %get3A_263 : i32 to index
    %get3A_265 = arith.constant 80 : index
    %get3A_266 = tpu.vector_load %arg5[%get3A_264, %get3A_265] {strides = array<i32>} : memref<80x128xi32, #tpu.memory_space<vmem>>, vector<1x16xi32>,
    %get3A_267 = vector.shape_cast %get3A_266 : vector<1x16xi32> to vector<16xi32>
    %and3A_268 = arith.constant 65535 : i32
    %and3A_269 = vector.broadcast %and3A_268 : i32 to vector<16xi32>
    %and3A_270 = arith.andi %get3A_267, %and3A_269 : vector<16xi32>
    %swap3A_271 = arith.constant 80 : index
    %swap3A_272 = tpu.vector_load %arg8[%swap3A_271] {strides = array<i32>} : memref<128xi32, #tpu.memory_space<vmem>>, vector<16xi32>,
    %swap3A_273 = vector.shape_cast %swap3A_272 : vector<16xi32> to vector<16xi32>
    %swap3A_274 = vector.shape_cast %and3A_270 : vector<16xi32> to vector<16xi32>
    tpu.vector_store %arg8[%swap3A_271], %swap3A_274 {strides = array<i32>} : memref<128xi32, #tpu.memory_space<vmem>>, vector<16xi32>,
    %shift_right_arithmetic3A_275 = arith.constant 16 : i32
    %shift_right_arithmetic3A_276 = vector.broadcast %shift_right_arithmetic3A_275 : i32 to vector<16xi32>
    %shift_right_arithmetic3A_277 = arith.shrsi %get3A_267, %shift_right_arithmetic3A_276 : vector<16xi32>
    %swap3A_278 = arith.constant 80 : index
    %swap3A_279 = tpu.vector_load %arg9[%swap3A_278] {strides = array<i32>} : memref<128xi32, #tpu.memory_space<vmem>>, vector<16xi32>,
    %swap3A_280 = vector.shape_cast %swap3A_279 : vector<16xi32> to vector<16xi32>
    %swap3A_281 = vector.shape_cast %shift_right_arithmetic3A_277 : vector<16xi32> to vector<16xi32>
    tpu.vector_store %arg9[%swap3A_278], %swap3A_281 {strides = array<i32>} : memref<128xi32, #tpu.memory_space<vmem>>, vector<16xi32>,
    %get3A_282 = arith.constant 1 : i32
    %get3A_283 = arith.index_cast %get3A_282 : i32 to index
    %get3A_284 = arith.constant 96 : index
    %get3A_285 = tpu.vector_load %arg5[%get3A_283, %get3A_284] {strides = array<i32>} : memref<80x128xi32, #tpu.memory_space<vmem>>, vector<1x16xi32>,
    %get3A_286 = vector.shape_cast %get3A_285 : vector<1x16xi32> to vector<16xi32>
    %and3A_287 = arith.constant 65535 : i32
    %and3A_288 = vector.broadcast %and3A_287 : i32 to vector<16xi32>
    %and3A_289 = arith.andi %get3A_286, %and3A_288 : vector<16xi32>
    %swap3A_290 = arith.constant 96 : index
    %swap3A_291 = tpu.vector_load %arg8[%swap3A_290] {strides = array<i32>} : memref<128xi32, #tpu.memory_space<vmem>>, vector<16xi32>,
    %swap3A_292 = vector.shape_cast %swap3A_291 : vector<16xi32> to vector<16xi32>
    %swap3A_293 = vector.shape_cast %and3A_289 : vector<16xi32> to vector<16xi32>
    tpu.vector_store %arg8[%swap3A_290], %swap3A_293 {strides = array<i32>} : memref<128xi32, #tpu.memory_space<vmem>>, vector<16xi32>,
    %shift_right_arithmetic3A_294 = arith.constant 16 : i32
    %shift_right_arithmetic3A_295 = vector.broadcast %shift_right_arithmetic3A_294 : i32 to vector<16xi32>
    %shift_right_arithmetic3A_296 = arith.shrsi %get3A_286, %shift_right_arithmetic3A_295 : vector<16xi32>
    %swap3A_297 = arith.constant 96 : index
    %swap3A_298 = tpu.vector_load %arg9[%swap3A_297] {strides = array<i32>} : memref<128xi32, #tpu.memory_space<vmem>>, vector<16xi32>,
    %swap3A_299 = vector.shape_cast %swap3A_298 : vector<16xi32> to vector<16xi32>
    %swap3A_300 = vector.shape_cast %shift_right_arithmetic3A_296 : vector<16xi32> to vector<16xi32>
    tpu.vector_store %arg9[%swap3A_297], %swap3A_300 {strides = array<i32>} : memref<128xi32, #tpu.memory_space<vmem>>, vector<16xi32>,
    %get3A_301 = arith.constant 1 : i32
    %get3A_302 = arith.index_cast %get3A_301 : i32 to index
    %get3A_303 = arith.constant 112 : index
    %get3A_304 = tpu.vector_load %arg5[%get3A_302, %get3A_303] {strides = array<i32>} : memref<80x128xi32, #tpu.memory_space<vmem>>, vector<1x16xi32>,
    %get3A_305 = vector.shape_cast %get3A_304 : vector<1x16xi32> to vector<16xi32>
    %and3A_306 = arith.constant 65535 : i32
    %and3A_307 = vector.broadcast %and3A_306 : i32 to vector<16xi32>
    %and3A_308 = arith.andi %get3A_305, %and3A_307 : vector<16xi32>
    %swap3A_309 = arith.constant 112 : index
    %swap3A_310 = tpu.vector_load %arg8[%swap3A_309] {strides = array<i32>} : memref<128xi32, #tpu.memory_space<vmem>>, vector<16xi32>,
    %swap3A_311 = vector.shape_cast %swap3A_310 : vector<16xi32> to vector<16xi32>
    %swap3A_312 = vector.shape_cast %and3A_308 : vector<16xi32> to vector<16xi32>
    tpu.vector_store %arg8[%swap3A_309], %swap3A_312 {strides = array<i32>} : memref<128xi32, #tpu.memory_space<vmem>>, vector<16xi32>,
    %shift_right_arithmetic3A_313 = arith.constant 16 : i32
    %shift_right_arithmetic3A_314 = vector.broadcast %shift_right_arithmetic3A_313 : i32 to vector<16xi32>
    %shift_right_arithmetic3A_315 = arith.shrsi %get3A_305, %shift_right_arithmetic3A_314 : vector<16xi32>
    %swap3A_316 = arith.constant 112 : index
    %swap3A_317 = tpu.vector_load %arg9[%swap3A_316] {strides = array<i32>} : memref<128xi32, #tpu.memory_space<vmem>>, vector<16xi32>,
    %swap3A_318 = vector.shape_cast %swap3A_317 : vector<16xi32> to vector<16xi32>
    %swap3A_319 = vector.shape_cast %shift_right_arithmetic3A_315 : vector<16xi32> to vector<16xi32>
    tpu.vector_store %arg9[%swap3A_316], %swap3A_319 {strides = array<i32>} : memref<128xi32, #tpu.memory_space<vmem>>, vector<16xi32>,
    %dma_start3A_320 = arith.constant 0 : i32
    %dma_start3A_321 = arith.constant 0 : i32
    %dma_start3A_322 = tpu.memref_slice %arg3[%dma_start3A_320, %dma_start3A_321] : memref<10240x128xf32, #tpu.memory_space<hbm>> -> memref<10240x128xf32, #tpu.memory_space<hbm>>
    tpu.enqueue_indirect_dma source(%dma_start3A_322 : memref<10240x128xf32, #tpu.memory_space<hbm>>) target(%arg11 : memref<128x128xf32, #tpu.memory_space<vmem>>) offsets(%arg8 : memref<128xi32, #tpu.memory_space<vmem>>) semaphore(%arg14 : memref<!tpu.dma_semaphore, #tpu.memory_space<semaphore_mem>>)
    %dma_wait3A_323 = arith.constant 0 : i32
    %dma_wait3A_324 = tpu.memref_slice %arg12[%mul3A_2, %dma_wait3A_323] : memref<10240x128xf32, #tpu.memory_space<vmem_shared>> -> memref<640x128xf32, #tpu.memory_space<vmem_shared>>
    %dma_wait3A_325 = arith.constant 0 : i32
    %dma_wait3A_326 = tpu.memref_slice %arg3[%mul3A_2, %dma_wait3A_325] : memref<10240x128xf32, #tpu.memory_space<hbm>> -> memref<640x128xf32, #tpu.memory_space<hbm>>
    tpu.wait_dma2 semaphore(%arg16 : memref<!tpu.dma_semaphore, #tpu.memory_space<semaphore_mem>>) src(%dma_wait3A_326 : memref<640x128xf32, #tpu.memory_space<hbm>>) dst(%dma_wait3A_324 : memref<640x128xf32, #tpu.memory_space<vmem_shared>>)
    %barrier3A = arith.constant 0 : index
    tpu.barrier barrier_id(%barrier3A)
    %dma_wait3A_327 = arith.constant 0 : i32
    %dma_wait3A_328 = arith.constant 0 : i32
    %dma_wait3A_329 = tpu.memref_slice %arg3[%dma_wait3A_327, %dma_wait3A_328] : memref<10240x128xf32, #tpu.memory_space<hbm>> -> memref<10240x128xf32, #tpu.memory_space<hbm>>
    tpu.wait_indirect_dma semaphore(%arg13 : memref<!tpu.dma_semaphore, #tpu.memory_space<semaphore_mem>>) src(%dma_wait3A_329 : memref<10240x128xf32, #tpu.memory_space<hbm>>) dst(%arg10 : memref<128x128xf32, #tpu.memory_space<vmem>>)
    %dma_start3A_330 = arith.constant 0 : i32
    %dma_start3A_331 = arith.constant 0 : i32
    %dma_start3A_332 = tpu.memref_slice %arg12[%dma_start3A_330, %dma_start3A_331] : memref<10240x128xf32, #tpu.memory_space<vmem_shared>> -> memref<10240x128xf32, #tpu.memory_space<vmem_shared>>
    tpu.enqueue_indirect_dma source(%arg10 : memref<128x128xf32, #tpu.memory_space<vmem>>) target(%dma_start3A_332 : memref<10240x128xf32, #tpu.memory_space<vmem_shared>>) offsets(%arg7 : memref<128xi32, #tpu.memory_space<vmem>>) semaphore(%arg15 : memref<!tpu.dma_semaphore, #tpu.memory_space<semaphore_mem>>) {add = true}
    %scan3A = arith.constant 0 : i32
    %scan3A_333 = arith.constant 0 : i32
    %scan3A_334 = arith.constant 39 : i32
    %scan3A_335 = arith.addi %scan3A_333, %scan3A_334 : i32
    %scan3A_336 = arith.constant 1 : i32
    %scan3A_337 = scf.for %scan3A_352 = %scan3A_333 to %scan3A_335 step %scan3A_336 iter_args(%scan3A_353 = %scan3A) -> (i32)  : i32 {
      %dma_wait3A_354 = arith.constant 0 : i32
      %dma_wait3A_355 = arith.constant 0 : i32
      %dma_wait3A_356 = tpu.memref_slice %arg12[%dma_wait3A_354, %dma_wait3A_355] : memref<10240x128xf32, #tpu.memory_space<vmem_shared>> -> memref<10240x128xf32, #tpu.memory_space<vmem_shared>>
      tpu.wait_indirect_dma semaphore(%arg15 : memref<!tpu.dma_semaphore, #tpu.memory_space<semaphore_mem>>) src(%arg10 : memref<128x128xf32, #tpu.memory_space<vmem>>) dst(%dma_wait3A_356 : memref<10240x128xf32, #tpu.memory_space<vmem_shared>>)
      %mul3A_357 = arith.constant 2 : i32
      %mul3A_358 = arith.muli %mul3A_357, %scan3A_352 : i32
      %add3A_359 = arith.constant 2 : i32
      %add3A_360 = arith.addi %mul3A_358, %add3A_359 : i32
      %get3A_361 = arith.index_cast %add3A_360 : i32 to index
      %get3A_362 = arith.constant 0 : index
      %get3A_363 = tpu.vector_load %arg5[%get3A_361, %get3A_362] {strides = array<i32>} : memref<80x128xi32, #tpu.memory_space<vmem>>, vector<1x16xi32>,
      %get3A_364 = vector.shape_cast %get3A_363 : vector<1x16xi32> to vector<16xi32>
      %and3A_365 = arith.constant 65535 : i32
      %and3A_366 = vector.broadcast %and3A_365 : i32 to vector<16xi32>
      %and3A_367 = arith.andi %get3A_364, %and3A_366 : vector<16xi32>
      %swap3A_368 = arith.constant 0 : index
      %swap3A_369 = tpu.vector_load %arg6[%swap3A_368] {strides = array<i32>} : memref<128xi32, #tpu.memory_space<vmem>>, vector<16xi32>,
      %swap3A_370 = vector.shape_cast %swap3A_369 : vector<16xi32> to vector<16xi32>
      %swap3A_371 = vector.shape_cast %and3A_367 : vector<16xi32> to vector<16xi32>
      tpu.vector_store %arg6[%swap3A_368], %swap3A_371 {strides = array<i32>} : memref<128xi32, #tpu.memory_space<vmem>>, vector<16xi32>,
      %shift_right_arithmetic3A_372 = arith.constant 16 : i32
      %shift_right_arithmetic3A_373 = vector.broadcast %shift_right_arithmetic3A_372 : i32 to vector<16xi32>
      %shift_right_arithmetic3A_374 = arith.shrsi %get3A_364, %shift_right_arithmetic3A_373 : vector<16xi32>
      %swap3A_375 = arith.constant 0 : index
      %swap3A_376 = tpu.vector_load %arg7[%swap3A_375] {strides = array<i32>} : memref<128xi32, #tpu.memory_space<vmem>>, vector<16xi32>,
      %swap3A_377 = vector.shape_cast %swap3A_376 : vector<16xi32> to vector<16xi32>
      %swap3A_378 = vector.shape_cast %shift_right_arithmetic3A_374 : vector<16xi32> to vector<16xi32>
      tpu.vector_store %arg7[%swap3A_375], %swap3A_378 {strides = array<i32>} : memref<128xi32, #tpu.memory_space<vmem>>, vector<16xi32>,
      %get3A_379 = arith.index_cast %add3A_360 : i32 to index
      %get3A_380 = arith.constant 16 : index
      %get3A_381 = tpu.vector_load %arg5[%get3A_379, %get3A_380] {strides = array<i32>} : memref<80x128xi32, #tpu.memory_space<vmem>>, vector<1x16xi32>,
      %get3A_382 = vector.shape_cast %get3A_381 : vector<1x16xi32> to vector<16xi32>
      %and3A_383 = arith.constant 65535 : i32
      %and3A_384 = vector.broadcast %and3A_383 : i32 to vector<16xi32>
      %and3A_385 = arith.andi %get3A_382, %and3A_384 : vector<16xi32>
      %swap3A_386 = arith.constant 16 : index
      %swap3A_387 = tpu.vector_load %arg6[%swap3A_386] {strides = array<i32>} : memref<128xi32, #tpu.memory_space<vmem>>, vector<16xi32>,
      %swap3A_388 = vector.shape_cast %swap3A_387 : vector<16xi32> to vector<16xi32>
      %swap3A_389 = vector.shape_cast %and3A_385 : vector<16xi32> to vector<16xi32>
      tpu.vector_store %arg6[%swap3A_386], %swap3A_389 {strides = array<i32>} : memref<128xi32, #tpu.memory_space<vmem>>, vector<16xi32>,
      %shift_right_arithmetic3A_390 = arith.constant 16 : i32
      %shift_right_arithmetic3A_391 = vector.broadcast %shift_right_arithmetic3A_390 : i32 to vector<16xi32>
      %shift_right_arithmetic3A_392 = arith.shrsi %get3A_382, %shift_right_arithmetic3A_391 : vector<16xi32>
      %swap3A_393 = arith.constant 16 : index
      %swap3A_394 = tpu.vector_load %arg7[%swap3A_393] {strides = array<i32>} : memref<128xi32, #tpu.memory_space<vmem>>, vector<16xi32>,
      %swap3A_395 = vector.shape_cast %swap3A_394 : vector<16xi32> to vector<16xi32>
      %swap3A_396 = vector.shape_cast %shift_right_arithmetic3A_392 : vector<16xi32> to vector<16xi32>
      tpu.vector_store %arg7[%swap3A_393], %swap3A_396 {strides = array<i32>} : memref<128xi32, #tpu.memory_space<vmem>>, vector<16xi32>,
      %get3A_397 = arith.index_cast %add3A_360 : i32 to index
      %get3A_398 = arith.constant 32 : index
      %get3A_399 = tpu.vector_load %arg5[%get3A_397, %get3A_398] {strides = array<i32>} : memref<80x128xi32, #tpu.memory_space<vmem>>, vector<1x16xi32>,
      %get3A_400 = vector.shape_cast %get3A_399 : vector<1x16xi32> to vector<16xi32>
      %and3A_401 = arith.constant 65535 : i32
      %and3A_402 = vector.broadcast %and3A_401 : i32 to vector<16xi32>
      %and3A_403 = arith.andi %get3A_400, %and3A_402 : vector<16xi32>
      %swap3A_404 = arith.constant 32 : index
      %swap3A_405 = tpu.vector_load %arg6[%swap3A_404] {strides = array<i32>} : memref<128xi32, #tpu.memory_space<vmem>>, vector<16xi32>,
      %swap3A_406 = vector.shape_cast %swap3A_405 : vector<16xi32> to vector<16xi32>
      %swap3A_407 = vector.shape_cast %and3A_403 : vector<16xi32> to vector<16xi32>
      tpu.vector_store %arg6[%swap3A_404], %swap3A_407 {strides = array<i32>} : memref<128xi32, #tpu.memory_space<vmem>>, vector<16xi32>,
      %shift_right_arithmetic3A_408 = arith.constant 16 : i32
      %shift_right_arithmetic3A_409 = vector.broadcast %shift_right_arithmetic3A_408 : i32 to vector<16xi32>
      %shift_right_arithmetic3A_410 = arith.shrsi %get3A_400, %shift_right_arithmetic3A_409 : vector<16xi32>
      %swap3A_411 = arith.constant 32 : index
      %swap3A_412 = tpu.vector_load %arg7[%swap3A_411] {strides = array<i32>} : memref<128xi32, #tpu.memory_space<vmem>>, vector<16xi32>,
      %swap3A_413 = vector.shape_cast %swap3A_412 : vector<16xi32> to vector<16xi32>
      %swap3A_414 = vector.shape_cast %shift_right_arithmetic3A_410 : vector<16xi32> to vector<16xi32>
      tpu.vector_store %arg7[%swap3A_411], %swap3A_414 {strides = array<i32>} : memref<128xi32, #tpu.memory_space<vmem>>, vector<16xi32>,
      %get3A_415 = arith.index_cast %add3A_360 : i32 to index
      %get3A_416 = arith.constant 48 : index
      %get3A_417 = tpu.vector_load %arg5[%get3A_415, %get3A_416] {strides = array<i32>} : memref<80x128xi32, #tpu.memory_space<vmem>>, vector<1x16xi32>,
      %get3A_418 = vector.shape_cast %get3A_417 : vector<1x16xi32> to vector<16xi32>
      %and3A_419 = arith.constant 65535 : i32
      %and3A_420 = vector.broadcast %and3A_419 : i32 to vector<16xi32>
      %and3A_421 = arith.andi %get3A_418, %and3A_420 : vector<16xi32>
      %swap3A_422 = arith.constant 48 : index
      %swap3A_423 = tpu.vector_load %arg6[%swap3A_422] {strides = array<i32>} : memref<128xi32, #tpu.memory_space<vmem>>, vector<16xi32>,
      %swap3A_424 = vector.shape_cast %swap3A_423 : vector<16xi32> to vector<16xi32>
      %swap3A_425 = vector.shape_cast %and3A_421 : vector<16xi32> to vector<16xi32>
      tpu.vector_store %arg6[%swap3A_422], %swap3A_425 {strides = array<i32>} : memref<128xi32, #tpu.memory_space<vmem>>, vector<16xi32>,
      %shift_right_arithmetic3A_426 = arith.constant 16 : i32
      %shift_right_arithmetic3A_427 = vector.broadcast %shift_right_arithmetic3A_426 : i32 to vector<16xi32>
      %shift_right_arithmetic3A_428 = arith.shrsi %get3A_418, %shift_right_arithmetic3A_427 : vector<16xi32>
      %swap3A_429 = arith.constant 48 : index
      %swap3A_430 = tpu.vector_load %arg7[%swap3A_429] {strides = array<i32>} : memref<128xi32, #tpu.memory_space<vmem>>, vector<16xi32>,
      %swap3A_431 = vector.shape_cast %swap3A_430 : vector<16xi32> to vector<16xi32>
      %swap3A_432 = vector.shape_cast %shift_right_arithmetic3A_428 : vector<16xi32> to vector<16xi32>
      tpu.vector_store %arg7[%swap3A_429], %swap3A_432 {strides = array<i32>} : memref<128xi32, #tpu.memory_space<vmem>>, vector<16xi32>,
      %get3A_433 = arith.index_cast %add3A_360 : i32 to index
      %get3A_434 = arith.constant 64 : index
      %get3A_435 = tpu.vector_load %arg5[%get3A_433, %get3A_434] {strides = array<i32>} : memref<80x128xi32, #tpu.memory_space<vmem>>, vector<1x16xi32>,
      %get3A_436 = vector.shape_cast %get3A_435 : vector<1x16xi32> to vector<16xi32>
      %and3A_437 = arith.constant 65535 : i32
      %and3A_438 = vector.broadcast %and3A_437 : i32 to vector<16xi32>
      %and3A_439 = arith.andi %get3A_436, %and3A_438 : vector<16xi32>
      %swap3A_440 = arith.constant 64 : index
      %swap3A_441 = tpu.vector_load %arg6[%swap3A_440] {strides = array<i32>} : memref<128xi32, #tpu.memory_space<vmem>>, vector<16xi32>,
      %swap3A_442 = vector.shape_cast %swap3A_441 : vector<16xi32> to vector<16xi32>
      %swap3A_443 = vector.shape_cast %and3A_439 : vector<16xi32> to vector<16xi32>
      tpu.vector_store %arg6[%swap3A_440], %swap3A_443 {strides = array<i32>} : memref<128xi32, #tpu.memory_space<vmem>>, vector<16xi32>,
      %shift_right_arithmetic3A_444 = arith.constant 16 : i32
      %shift_right_arithmetic3A_445 = vector.broadcast %shift_right_arithmetic3A_444 : i32 to vector<16xi32>
      %shift_right_arithmetic3A_446 = arith.shrsi %get3A_436, %shift_right_arithmetic3A_445 : vector<16xi32>
      %swap3A_447 = arith.constant 64 : index
      %swap3A_448 = tpu.vector_load %arg7[%swap3A_447] {strides = array<i32>} : memref<128xi32, #tpu.memory_space<vmem>>, vector<16xi32>,
      %swap3A_449 = vector.shape_cast %swap3A_448 : vector<16xi32> to vector<16xi32>
      %swap3A_450 = vector.shape_cast %shift_right_arithmetic3A_446 : vector<16xi32> to vector<16xi32>
      tpu.vector_store %arg7[%swap3A_447], %swap3A_450 {strides = array<i32>} : memref<128xi32, #tpu.memory_space<vmem>>, vector<16xi32>,
      %get3A_451 = arith.index_cast %add3A_360 : i32 to index
      %get3A_452 = arith.constant 80 : index
      %get3A_453 = tpu.vector_load %arg5[%get3A_451, %get3A_452] {strides = array<i32>} : memref<80x128xi32, #tpu.memory_space<vmem>>, vector<1x16xi32>,
      %get3A_454 = vector.shape_cast %get3A_453 : vector<1x16xi32> to vector<16xi32>
      %and3A_455 = arith.constant 65535 : i32
      %and3A_456 = vector.broadcast %and3A_455 : i32 to vector<16xi32>
      %and3A_457 = arith.andi %get3A_454, %and3A_456 : vector<16xi32>
      %swap3A_458 = arith.constant 80 : index
      %swap3A_459 = tpu.vector_load %arg6[%swap3A_458] {strides = array<i32>} : memref<128xi32, #tpu.memory_space<vmem>>, vector<16xi32>,
      %swap3A_460 = vector.shape_cast %swap3A_459 : vector<16xi32> to vector<16xi32>
      %swap3A_461 = vector.shape_cast %and3A_457 : vector<16xi32> to vector<16xi32>
      tpu.vector_store %arg6[%swap3A_458], %swap3A_461 {strides = array<i32>} : memref<128xi32, #tpu.memory_space<vmem>>, vector<16xi32>,
      %shift_right_arithmetic3A_462 = arith.constant 16 : i32
      %shift_right_arithmetic3A_463 = vector.broadcast %shift_right_arithmetic3A_462 : i32 to vector<16xi32>
      %shift_right_arithmetic3A_464 = arith.shrsi %get3A_454, %shift_right_arithmetic3A_463 : vector<16xi32>
      %swap3A_465 = arith.constant 80 : index
      %swap3A_466 = tpu.vector_load %arg7[%swap3A_465] {strides = array<i32>} : memref<128xi32, #tpu.memory_space<vmem>>, vector<16xi32>,
      %swap3A_467 = vector.shape_cast %swap3A_466 : vector<16xi32> to vector<16xi32>
      %swap3A_468 = vector.shape_cast %shift_right_arithmetic3A_464 : vector<16xi32> to vector<16xi32>
      tpu.vector_store %arg7[%swap3A_465], %swap3A_468 {strides = array<i32>} : memref<128xi32, #tpu.memory_space<vmem>>, vector<16xi32>,
      %get3A_469 = arith.index_cast %add3A_360 : i32 to index
      %get3A_470 = arith.constant 96 : index
      %get3A_471 = tpu.vector_load %arg5[%get3A_469, %get3A_470] {strides = array<i32>} : memref<80x128xi32, #tpu.memory_space<vmem>>, vector<1x16xi32>,
      %get3A_472 = vector.shape_cast %get3A_471 : vector<1x16xi32> to vector<16xi32>
      %and3A_473 = arith.constant 65535 : i32
      %and3A_474 = vector.broadcast %and3A_473 : i32 to vector<16xi32>
      %and3A_475 = arith.andi %get3A_472, %and3A_474 : vector<16xi32>
      %swap3A_476 = arith.constant 96 : index
      %swap3A_477 = tpu.vector_load %arg6[%swap3A_476] {strides = array<i32>} : memref<128xi32, #tpu.memory_space<vmem>>, vector<16xi32>,
      %swap3A_478 = vector.shape_cast %swap3A_477 : vector<16xi32> to vector<16xi32>
      %swap3A_479 = vector.shape_cast %and3A_475 : vector<16xi32> to vector<16xi32>
      tpu.vector_store %arg6[%swap3A_476], %swap3A_479 {strides = array<i32>} : memref<128xi32, #tpu.memory_space<vmem>>, vector<16xi32>,
      %shift_right_arithmetic3A_480 = arith.constant 16 : i32
      %shift_right_arithmetic3A_481 = vector.broadcast %shift_right_arithmetic3A_480 : i32 to vector<16xi32>
      %shift_right_arithmetic3A_482 = arith.shrsi %get3A_472, %shift_right_arithmetic3A_481 : vector<16xi32>
      %swap3A_483 = arith.constant 96 : index
      %swap3A_484 = tpu.vector_load %arg7[%swap3A_483] {strides = array<i32>} : memref<128xi32, #tpu.memory_space<vmem>>, vector<16xi32>,
      %swap3A_485 = vector.shape_cast %swap3A_484 : vector<16xi32> to vector<16xi32>
      %swap3A_486 = vector.shape_cast %shift_right_arithmetic3A_482 : vector<16xi32> to vector<16xi32>
      tpu.vector_store %arg7[%swap3A_483], %swap3A_486 {strides = array<i32>} : memref<128xi32, #tpu.memory_space<vmem>>, vector<16xi32>,
      %get3A_487 = arith.index_cast %add3A_360 : i32 to index
      %get3A_488 = arith.constant 112 : index
      %get3A_489 = tpu.vector_load %arg5[%get3A_487, %get3A_488] {strides = array<i32>} : memref<80x128xi32, #tpu.memory_space<vmem>>, vector<1x16xi32>,
      %get3A_490 = vector.shape_cast %get3A_489 : vector<1x16xi32> to vector<16xi32>
      %and3A_491 = arith.constant 65535 : i32
      %and3A_492 = vector.broadcast %and3A_491 : i32 to vector<16xi32>
      %and3A_493 = arith.andi %get3A_490, %and3A_492 : vector<16xi32>
      %swap3A_494 = arith.constant 112 : index
      %swap3A_495 = tpu.vector_load %arg6[%swap3A_494] {strides = array<i32>} : memref<128xi32, #tpu.memory_space<vmem>>, vector<16xi32>,
      %swap3A_496 = vector.shape_cast %swap3A_495 : vector<16xi32> to vector<16xi32>
      %swap3A_497 = vector.shape_cast %and3A_493 : vector<16xi32> to vector<16xi32>
      tpu.vector_store %arg6[%swap3A_494], %swap3A_497 {strides = array<i32>} : memref<128xi32, #tpu.memory_space<vmem>>, vector<16xi32>,
      %shift_right_arithmetic3A_498 = arith.constant 16 : i32
      %shift_right_arithmetic3A_499 = vector.broadcast %shift_right_arithmetic3A_498 : i32 to vector<16xi32>
      %shift_right_arithmetic3A_500 = arith.shrsi %get3A_490, %shift_right_arithmetic3A_499 : vector<16xi32>
      %swap3A_501 = arith.constant 112 : index
      %swap3A_502 = tpu.vector_load %arg7[%swap3A_501] {strides = array<i32>} : memref<128xi32, #tpu.memory_space<vmem>>, vector<16xi32>,
      %swap3A_503 = vector.shape_cast %swap3A_502 : vector<16xi32> to vector<16xi32>
      %swap3A_504 = vector.shape_cast %shift_right_arithmetic3A_500 : vector<16xi32> to vector<16xi32>
      tpu.vector_store %arg7[%swap3A_501], %swap3A_504 {strides = array<i32>} : memref<128xi32, #tpu.memory_space<vmem>>, vector<16xi32>,
      %dma_wait3A_505 = arith.constant 0 : i32
      %dma_wait3A_506 = arith.constant 0 : i32
      %dma_wait3A_507 = tpu.memref_slice %arg3[%dma_wait3A_505, %dma_wait3A_506] : memref<10240x128xf32, #tpu.memory_space<hbm>> -> memref<10240x128xf32, #tpu.memory_space<hbm>>
      tpu.wait_indirect_dma semaphore(%arg14 : memref<!tpu.dma_semaphore, #tpu.memory_space<semaphore_mem>>) src(%dma_wait3A_507 : memref<10240x128xf32, #tpu.memory_space<hbm>>) dst(%arg11 : memref<128x128xf32, #tpu.memory_space<vmem>>)
      %dma_start3A_508 = arith.constant 0 : i32
      %dma_start3A_509 = arith.constant 0 : i32
      %dma_start3A_510 = tpu.memref_slice %arg12[%dma_start3A_508, %dma_start3A_509] : memref<10240x128xf32, #tpu.memory_space<vmem_shared>> -> memref<10240x128xf32, #tpu.memory_space<vmem_shared>>
      tpu.enqueue_indirect_dma source(%arg11 : memref<128x128xf32, #tpu.memory_space<vmem>>) target(%dma_start3A_510 : memref<10240x128xf32, #tpu.memory_space<vmem_shared>>) offsets(%arg9 : memref<128xi32, #tpu.memory_space<vmem>>) semaphore(%arg16 : memref<!tpu.dma_semaphore, #tpu.memory_space<semaphore_mem>>) {add = true}
      %dma_start3A_511 = arith.constant 0 : i32
      %dma_start3A_512 = arith.constant 0 : i32
      %dma_start3A_513 = tpu.memref_slice %arg3[%dma_start3A_511, %dma_start3A_512] : memref<10240x128xf32, #tpu.memory_space<hbm>> -> memref<10240x128xf32, #tpu.memory_space<hbm>>
      tpu.enqueue_indirect_dma source(%dma_start3A_513 : memref<10240x128xf32, #tpu.memory_space<hbm>>) target(%arg10 : memref<128x128xf32, #tpu.memory_space<vmem>>) offsets(%arg6 : memref<128xi32, #tpu.memory_space<vmem>>) semaphore(%arg13 : memref<!tpu.dma_semaphore, #tpu.memory_space<semaphore_mem>>)
      %dma_wait3A_514 = arith.constant 0 : i32
      %dma_wait3A_515 = arith.constant 0 : i32
      %dma_wait3A_516 = tpu.memref_slice %arg12[%dma_wait3A_514, %dma_wait3A_515] : memref<10240x128xf32, #tpu.memory_space<vmem_shared>> -> memref<10240x128xf32, #tpu.memory_space<vmem_shared>>
      tpu.wait_indirect_dma semaphore(%arg16 : memref<!tpu.dma_semaphore, #tpu.memory_space<semaphore_mem>>) src(%arg11 : memref<128x128xf32, #tpu.memory_space<vmem>>) dst(%dma_wait3A_516 : memref<10240x128xf32, #tpu.memory_space<vmem_shared>>)
      %mul3A_517 = arith.constant 2 : i32
      %mul3A_518 = arith.muli %mul3A_517, %scan3A_352 : i32
      %add3A_519 = arith.constant 3 : i32
      %add3A_520 = arith.addi %mul3A_518, %add3A_519 : i32
      %get3A_521 = arith.index_cast %add3A_520 : i32 to index
      %get3A_522 = arith.constant 0 : index
      %get3A_523 = tpu.vector_load %arg5[%get3A_521, %get3A_522] {strides = array<i32>} : memref<80x128xi32, #tpu.memory_space<vmem>>, vector<1x16xi32>,
      %get3A_524 = vector.shape_cast %get3A_523 : vector<1x16xi32> to vector<16xi32>
      %and3A_525 = arith.constant 65535 : i32
      %and3A_526 = vector.broadcast %and3A_525 : i32 to vector<16xi32>
      %and3A_527 = arith.andi %get3A_524, %and3A_526 : vector<16xi32>
      %swap3A_528 = arith.constant 0 : index
      %swap3A_529 = tpu.vector_load %arg8[%swap3A_528] {strides = array<i32>} : memref<128xi32, #tpu.memory_space<vmem>>, vector<16xi32>,
      %swap3A_530 = vector.shape_cast %swap3A_529 : vector<16xi32> to vector<16xi32>
      %swap3A_531 = vector.shape_cast %and3A_527 : vector<16xi32> to vector<16xi32>
      tpu.vector_store %arg8[%swap3A_528], %swap3A_531 {strides = array<i32>} : memref<128xi32, #tpu.memory_space<vmem>>, vector<16xi32>,
      %shift_right_arithmetic3A_532 = arith.constant 16 : i32
      %shift_right_arithmetic3A_533 = vector.broadcast %shift_right_arithmetic3A_532 : i32 to vector<16xi32>
      %shift_right_arithmetic3A_534 = arith.shrsi %get3A_524, %shift_right_arithmetic3A_533 : vector<16xi32>
      %swap3A_535 = arith.constant 0 : index
      %swap3A_536 = tpu.vector_load %arg9[%swap3A_535] {strides = array<i32>} : memref<128xi32, #tpu.memory_space<vmem>>, vector<16xi32>,
      %swap3A_537 = vector.shape_cast %swap3A_536 : vector<16xi32> to vector<16xi32>
      %swap3A_538 = vector.shape_cast %shift_right_arithmetic3A_534 : vector<16xi32> to vector<16xi32>
      tpu.vector_store %arg9[%swap3A_535], %swap3A_538 {strides = array<i32>} : memref<128xi32, #tpu.memory_space<vmem>>, vector<16xi32>,
      %get3A_539 = arith.index_cast %add3A_520 : i32 to index
      %get3A_540 = arith.constant 16 : index
      %get3A_541 = tpu.vector_load %arg5[%get3A_539, %get3A_540] {strides = array<i32>} : memref<80x128xi32, #tpu.memory_space<vmem>>, vector<1x16xi32>,
      %get3A_542 = vector.shape_cast %get3A_541 : vector<1x16xi32> to vector<16xi32>
      %and3A_543 = arith.constant 65535 : i32
      %and3A_544 = vector.broadcast %and3A_543 : i32 to vector<16xi32>
      %and3A_545 = arith.andi %get3A_542, %and3A_544 : vector<16xi32>
      %swap3A_546 = arith.constant 16 : index
      %swap3A_547 = tpu.vector_load %arg8[%swap3A_546] {strides = array<i32>} : memref<128xi32, #tpu.memory_space<vmem>>, vector<16xi32>,
      %swap3A_548 = vector.shape_cast %swap3A_547 : vector<16xi32> to vector<16xi32>
      %swap3A_549 = vector.shape_cast %and3A_545 : vector<16xi32> to vector<16xi32>
      tpu.vector_store %arg8[%swap3A_546], %swap3A_549 {strides = array<i32>} : memref<128xi32, #tpu.memory_space<vmem>>, vector<16xi32>,
      %shift_right_arithmetic3A_550 = arith.constant 16 : i32
      %shift_right_arithmetic3A_551 = vector.broadcast %shift_right_arithmetic3A_550 : i32 to vector<16xi32>
      %shift_right_arithmetic3A_552 = arith.shrsi %get3A_542, %shift_right_arithmetic3A_551 : vector<16xi32>
      %swap3A_553 = arith.constant 16 : index
      %swap3A_554 = tpu.vector_load %arg9[%swap3A_553] {strides = array<i32>} : memref<128xi32, #tpu.memory_space<vmem>>, vector<16xi32>,
      %swap3A_555 = vector.shape_cast %swap3A_554 : vector<16xi32> to vector<16xi32>
      %swap3A_556 = vector.shape_cast %shift_right_arithmetic3A_552 : vector<16xi32> to vector<16xi32>
      tpu.vector_store %arg9[%swap3A_553], %swap3A_556 {strides = array<i32>} : memref<128xi32, #tpu.memory_space<vmem>>, vector<16xi32>,
      %get3A_557 = arith.index_cast %add3A_520 : i32 to index
      %get3A_558 = arith.constant 32 : index
      %get3A_559 = tpu.vector_load %arg5[%get3A_557, %get3A_558] {strides = array<i32>} : memref<80x128xi32, #tpu.memory_space<vmem>>, vector<1x16xi32>,
      %get3A_560 = vector.shape_cast %get3A_559 : vector<1x16xi32> to vector<16xi32>
      %and3A_561 = arith.constant 65535 : i32
      %and3A_562 = vector.broadcast %and3A_561 : i32 to vector<16xi32>
      %and3A_563 = arith.andi %get3A_560, %and3A_562 : vector<16xi32>
      %swap3A_564 = arith.constant 32 : index
      %swap3A_565 = tpu.vector_load %arg8[%swap3A_564] {strides = array<i32>} : memref<128xi32, #tpu.memory_space<vmem>>, vector<16xi32>,
      %swap3A_566 = vector.shape_cast %swap3A_565 : vector<16xi32> to vector<16xi32>
      %swap3A_567 = vector.shape_cast %and3A_563 : vector<16xi32> to vector<16xi32>
      tpu.vector_store %arg8[%swap3A_564], %swap3A_567 {strides = array<i32>} : memref<128xi32, #tpu.memory_space<vmem>>, vector<16xi32>,
      %shift_right_arithmetic3A_568 = arith.constant 16 : i32
      %shift_right_arithmetic3A_569 = vector.broadcast %shift_right_arithmetic3A_568 : i32 to vector<16xi32>
      %shift_right_arithmetic3A_570 = arith.shrsi %get3A_560, %shift_right_arithmetic3A_569 : vector<16xi32>
      %swap3A_571 = arith.constant 32 : index
      %swap3A_572 = tpu.vector_load %arg9[%swap3A_571] {strides = array<i32>} : memref<128xi32, #tpu.memory_space<vmem>>, vector<16xi32>,
      %swap3A_573 = vector.shape_cast %swap3A_572 : vector<16xi32> to vector<16xi32>
      %swap3A_574 = vector.shape_cast %shift_right_arithmetic3A_570 : vector<16xi32> to vector<16xi32>
      tpu.vector_store %arg9[%swap3A_571], %swap3A_574 {strides = array<i32>} : memref<128xi32, #tpu.memory_space<vmem>>, vector<16xi32>,
      %get3A_575 = arith.index_cast %add3A_520 : i32 to index
      %get3A_576 = arith.constant 48 : index
      %get3A_577 = tpu.vector_load %arg5[%get3A_575, %get3A_576] {strides = array<i32>} : memref<80x128xi32, #tpu.memory_space<vmem>>, vector<1x16xi32>,
      %get3A_578 = vector.shape_cast %get3A_577 : vector<1x16xi32> to vector<16xi32>
      %and3A_579 = arith.constant 65535 : i32
      %and3A_580 = vector.broadcast %and3A_579 : i32 to vector<16xi32>
      %and3A_581 = arith.andi %get3A_578, %and3A_580 : vector<16xi32>
      %swap3A_582 = arith.constant 48 : index
      %swap3A_583 = tpu.vector_load %arg8[%swap3A_582] {strides = array<i32>} : memref<128xi32, #tpu.memory_space<vmem>>, vector<16xi32>,
      %swap3A_584 = vector.shape_cast %swap3A_583 : vector<16xi32> to vector<16xi32>
      %swap3A_585 = vector.shape_cast %and3A_581 : vector<16xi32> to vector<16xi32>
      tpu.vector_store %arg8[%swap3A_582], %swap3A_585 {strides = array<i32>} : memref<128xi32, #tpu.memory_space<vmem>>, vector<16xi32>,
      %shift_right_arithmetic3A_586 = arith.constant 16 : i32
      %shift_right_arithmetic3A_587 = vector.broadcast %shift_right_arithmetic3A_586 : i32 to vector<16xi32>
      %shift_right_arithmetic3A_588 = arith.shrsi %get3A_578, %shift_right_arithmetic3A_587 : vector<16xi32>
      %swap3A_589 = arith.constant 48 : index
      %swap3A_590 = tpu.vector_load %arg9[%swap3A_589] {strides = array<i32>} : memref<128xi32, #tpu.memory_space<vmem>>, vector<16xi32>,
      %swap3A_591 = vector.shape_cast %swap3A_590 : vector<16xi32> to vector<16xi32>
      %swap3A_592 = vector.shape_cast %shift_right_arithmetic3A_588 : vector<16xi32> to vector<16xi32>
      tpu.vector_store %arg9[%swap3A_589], %swap3A_592 {strides = array<i32>} : memref<128xi32, #tpu.memory_space<vmem>>, vector<16xi32>,
      %get3A_593 = arith.index_cast %add3A_520 : i32 to index
      %get3A_594 = arith.constant 64 : index
      %get3A_595 = tpu.vector_load %arg5[%get3A_593, %get3A_594] {strides = array<i32>} : memref<80x128xi32, #tpu.memory_space<vmem>>, vector<1x16xi32>,
      %get3A_596 = vector.shape_cast %get3A_595 : vector<1x16xi32> to vector<16xi32>
      %and3A_597 = arith.constant 65535 : i32
      %and3A_598 = vector.broadcast %and3A_597 : i32 to vector<16xi32>
      %and3A_599 = arith.andi %get3A_596, %and3A_598 : vector<16xi32>
      %swap3A_600 = arith.constant 64 : index
      %swap3A_601 = tpu.vector_load %arg8[%swap3A_600] {strides = array<i32>} : memref<128xi32, #tpu.memory_space<vmem>>, vector<16xi32>,
      %swap3A_602 = vector.shape_cast %swap3A_601 : vector<16xi32> to vector<16xi32>
      %swap3A_603 = vector.shape_cast %and3A_599 : vector<16xi32> to vector<16xi32>
      tpu.vector_store %arg8[%swap3A_600], %swap3A_603 {strides = array<i32>} : memref<128xi32, #tpu.memory_space<vmem>>, vector<16xi32>,
      %shift_right_arithmetic3A_604 = arith.constant 16 : i32
      %shift_right_arithmetic3A_605 = vector.broadcast %shift_right_arithmetic3A_604 : i32 to vector<16xi32>
      %shift_right_arithmetic3A_606 = arith.shrsi %get3A_596, %shift_right_arithmetic3A_605 : vector<16xi32>
      %swap3A_607 = arith.constant 64 : index
      %swap3A_608 = tpu.vector_load %arg9[%swap3A_607] {strides = array<i32>} : memref<128xi32, #tpu.memory_space<vmem>>, vector<16xi32>,
      %swap3A_609 = vector.shape_cast %swap3A_608 : vector<16xi32> to vector<16xi32>
      %swap3A_610 = vector.shape_cast %shift_right_arithmetic3A_606 : vector<16xi32> to vector<16xi32>
      tpu.vector_store %arg9[%swap3A_607], %swap3A_610 {strides = array<i32>} : memref<128xi32, #tpu.memory_space<vmem>>, vector<16xi32>,
      %get3A_611 = arith.index_cast %add3A_520 : i32 to index
      %get3A_612 = arith.constant 80 : index
      %get3A_613 = tpu.vector_load %arg5[%get3A_611, %get3A_612] {strides = array<i32>} : memref<80x128xi32, #tpu.memory_space<vmem>>, vector<1x16xi32>,
      %get3A_614 = vector.shape_cast %get3A_613 : vector<1x16xi32> to vector<16xi32>
      %and3A_615 = arith.constant 65535 : i32
      %and3A_616 = vector.broadcast %and3A_615 : i32 to vector<16xi32>
      %and3A_617 = arith.andi %get3A_614, %and3A_616 : vector<16xi32>
      %swap3A_618 = arith.constant 80 : index
      %swap3A_619 = tpu.vector_load %arg8[%swap3A_618] {strides = array<i32>} : memref<128xi32, #tpu.memory_space<vmem>>, vector<16xi32>,
      %swap3A_620 = vector.shape_cast %swap3A_619 : vector<16xi32> to vector<16xi32>
      %swap3A_621 = vector.shape_cast %and3A_617 : vector<16xi32> to vector<16xi32>
      tpu.vector_store %arg8[%swap3A_618], %swap3A_621 {strides = array<i32>} : memref<128xi32, #tpu.memory_space<vmem>>, vector<16xi32>,
      %shift_right_arithmetic3A_622 = arith.constant 16 : i32
      %shift_right_arithmetic3A_623 = vector.broadcast %shift_right_arithmetic3A_622 : i32 to vector<16xi32>
      %shift_right_arithmetic3A_624 = arith.shrsi %get3A_614, %shift_right_arithmetic3A_623 : vector<16xi32>
      %swap3A_625 = arith.constant 80 : index
      %swap3A_626 = tpu.vector_load %arg9[%swap3A_625] {strides = array<i32>} : memref<128xi32, #tpu.memory_space<vmem>>, vector<16xi32>,
      %swap3A_627 = vector.shape_cast %swap3A_626 : vector<16xi32> to vector<16xi32>
      %swap3A_628 = vector.shape_cast %shift_right_arithmetic3A_624 : vector<16xi32> to vector<16xi32>
      tpu.vector_store %arg9[%swap3A_625], %swap3A_628 {strides = array<i32>} : memref<128xi32, #tpu.memory_space<vmem>>, vector<16xi32>,
      %get3A_629 = arith.index_cast %add3A_520 : i32 to index
      %get3A_630 = arith.constant 96 : index
      %get3A_631 = tpu.vector_load %arg5[%get3A_629, %get3A_630] {strides = array<i32>} : memref<80x128xi32, #tpu.memory_space<vmem>>, vector<1x16xi32>,
      %get3A_632 = vector.shape_cast %get3A_631 : vector<1x16xi32> to vector<16xi32>
      %and3A_633 = arith.constant 65535 : i32
      %and3A_634 = vector.broadcast %and3A_633 : i32 to vector<16xi32>
      %and3A_635 = arith.andi %get3A_632, %and3A_634 : vector<16xi32>
      %swap3A_636 = arith.constant 96 : index
      %swap3A_637 = tpu.vector_load %arg8[%swap3A_636] {strides = array<i32>} : memref<128xi32, #tpu.memory_space<vmem>>, vector<16xi32>,
      %swap3A_638 = vector.shape_cast %swap3A_637 : vector<16xi32> to vector<16xi32>
      %swap3A_639 = vector.shape_cast %and3A_635 : vector<16xi32> to vector<16xi32>
      tpu.vector_store %arg8[%swap3A_636], %swap3A_639 {strides = array<i32>} : memref<128xi32, #tpu.memory_space<vmem>>, vector<16xi32>,
      %shift_right_arithmetic3A_640 = arith.constant 16 : i32
      %shift_right_arithmetic3A_641 = vector.broadcast %shift_right_arithmetic3A_640 : i32 to vector<16xi32>
      %shift_right_arithmetic3A_642 = arith.shrsi %get3A_632, %shift_right_arithmetic3A_641 : vector<16xi32>
      %swap3A_643 = arith.constant 96 : index
      %swap3A_644 = tpu.vector_load %arg9[%swap3A_643] {strides = array<i32>} : memref<128xi32, #tpu.memory_space<vmem>>, vector<16xi32>,
      %swap3A_645 = vector.shape_cast %swap3A_644 : vector<16xi32> to vector<16xi32>
      %swap3A_646 = vector.shape_cast %shift_right_arithmetic3A_642 : vector<16xi32> to vector<16xi32>
      tpu.vector_store %arg9[%swap3A_643], %swap3A_646 {strides = array<i32>} : memref<128xi32, #tpu.memory_space<vmem>>, vector<16xi32>,
      %get3A_647 = arith.index_cast %add3A_520 : i32 to index
      %get3A_648 = arith.constant 112 : index
      %get3A_649 = tpu.vector_load %arg5[%get3A_647, %get3A_648] {strides = array<i32>} : memref<80x128xi32, #tpu.memory_space<vmem>>, vector<1x16xi32>,
      %get3A_650 = vector.shape_cast %get3A_649 : vector<1x16xi32> to vector<16xi32>
      %and3A_651 = arith.constant 65535 : i32
      %and3A_652 = vector.broadcast %and3A_651 : i32 to vector<16xi32>
      %and3A_653 = arith.andi %get3A_650, %and3A_652 : vector<16xi32>
      %swap3A_654 = arith.constant 112 : index
      %swap3A_655 = tpu.vector_load %arg8[%swap3A_654] {strides = array<i32>} : memref<128xi32, #tpu.memory_space<vmem>>, vector<16xi32>,
      %swap3A_656 = vector.shape_cast %swap3A_655 : vector<16xi32> to vector<16xi32>
      %swap3A_657 = vector.shape_cast %and3A_653 : vector<16xi32> to vector<16xi32>
      tpu.vector_store %arg8[%swap3A_654], %swap3A_657 {strides = array<i32>} : memref<128xi32, #tpu.memory_space<vmem>>, vector<16xi32>,
      %shift_right_arithmetic3A_658 = arith.constant 16 : i32
      %shift_right_arithmetic3A_659 = vector.broadcast %shift_right_arithmetic3A_658 : i32 to vector<16xi32>
      %shift_right_arithmetic3A_660 = arith.shrsi %get3A_650, %shift_right_arithmetic3A_659 : vector<16xi32>
      %swap3A_661 = arith.constant 112 : index
      %swap3A_662 = tpu.vector_load %arg9[%swap3A_661] {strides = array<i32>} : memref<128xi32, #tpu.memory_space<vmem>>, vector<16xi32>,
      %swap3A_663 = vector.shape_cast %swap3A_662 : vector<16xi32> to vector<16xi32>
      %swap3A_664 = vector.shape_cast %shift_right_arithmetic3A_660 : vector<16xi32> to vector<16xi32>
      tpu.vector_store %arg9[%swap3A_661], %swap3A_664 {strides = array<i32>} : memref<128xi32, #tpu.memory_space<vmem>>, vector<16xi32>,
      %dma_wait3A_665 = arith.constant 0 : i32
      %dma_wait3A_666 = arith.constant 0 : i32
      %dma_wait3A_667 = tpu.memref_slice %arg3[%dma_wait3A_665, %dma_wait3A_666] : memref<10240x128xf32, #tpu.memory_space<hbm>> -> memref<10240x128xf32, #tpu.memory_space<hbm>>
      tpu.wait_indirect_dma semaphore(%arg13 : memref<!tpu.dma_semaphore, #tpu.memory_space<semaphore_mem>>) src(%dma_wait3A_667 : memref<10240x128xf32, #tpu.memory_space<hbm>>) dst(%arg10 : memref<128x128xf32, #tpu.memory_space<vmem>>)
      %dma_start3A_668 = arith.constant 0 : i32
      %dma_start3A_669 = arith.constant 0 : i32
      %dma_start3A_670 = tpu.memref_slice %arg12[%dma_start3A_668, %dma_start3A_669] : memref<10240x128xf32, #tpu.memory_space<vmem_shared>> -> memref<10240x128xf32, #tpu.memory_space<vmem_shared>>
      tpu.enqueue_indirect_dma source(%arg10 : memref<128x128xf32, #tpu.memory_space<vmem>>) target(%dma_start3A_670 : memref<10240x128xf32, #tpu.memory_space<vmem_shared>>) offsets(%arg7 : memref<128xi32, #tpu.memory_space<vmem>>) semaphore(%arg15 : memref<!tpu.dma_semaphore, #tpu.memory_space<semaphore_mem>>) {add = true}
      %dma_start3A_671 = arith.constant 0 : i32
      %dma_start3A_672 = arith.constant 0 : i32
      %dma_start3A_673 = tpu.memref_slice %arg3[%dma_start3A_671, %dma_start3A_672] : memref<10240x128xf32, #tpu.memory_space<hbm>> -> memref<10240x128xf32, #tpu.memory_space<hbm>>
      tpu.enqueue_indirect_dma source(%dma_start3A_673 : memref<10240x128xf32, #tpu.memory_space<hbm>>) target(%arg11 : memref<128x128xf32, #tpu.memory_space<vmem>>) offsets(%arg8 : memref<128xi32, #tpu.memory_space<vmem>>) semaphore(%arg14 : memref<!tpu.dma_semaphore, #tpu.memory_space<semaphore_mem>>)
      %scan3A_674 = arith.constant 0 : i32
      scf.yield %scan3A_674 : i32
    }
    %scan3A_338 = arith.constant 39 : i32
    %dma_wait3A_339 = arith.constant 0 : i32
    %dma_wait3A_340 = arith.constant 0 : i32
    %dma_wait3A_341 = tpu.memref_slice %arg12[%dma_wait3A_339, %dma_wait3A_340] : memref<10240x128xf32, #tpu.memory_space<vmem_shared>> -> memref<10240x128xf32, #tpu.memory_space<vmem_shared>>
    tpu.wait_indirect_dma semaphore(%arg15 : memref<!tpu.dma_semaphore, #tpu.memory_space<semaphore_mem>>) src(%arg10 : memref<128x128xf32, #tpu.memory_space<vmem>>) dst(%dma_wait3A_341 : memref<10240x128xf32, #tpu.memory_space<vmem_shared>>)
    %dma_wait3A_342 = arith.constant 0 : i32
    %dma_wait3A_343 = arith.constant 0 : i32
    %dma_wait3A_344 = tpu.memref_slice %arg3[%dma_wait3A_342, %dma_wait3A_343] : memref<10240x128xf32, #tpu.memory_space<hbm>> -> memref<10240x128xf32, #tpu.memory_space<hbm>>
    tpu.wait_indirect_dma semaphore(%arg14 : memref<!tpu.dma_semaphore, #tpu.memory_space<semaphore_mem>>) src(%dma_wait3A_344 : memref<10240x128xf32, #tpu.memory_space<hbm>>) dst(%arg11 : memref<128x128xf32, #tpu.memory_space<vmem>>)
    %dma_start3A_345 = arith.constant 0 : i32
    %dma_start3A_346 = arith.constant 0 : i32
    %dma_start3A_347 = tpu.memref_slice %arg12[%dma_start3A_345, %dma_start3A_346] : memref<10240x128xf32, #tpu.memory_space<vmem_shared>> -> memref<10240x128xf32, #tpu.memory_space<vmem_shared>>
    tpu.enqueue_indirect_dma source(%arg11 : memref<128x128xf32, #tpu.memory_space<vmem>>) target(%dma_start3A_347 : memref<10240x128xf32, #tpu.memory_space<vmem_shared>>) offsets(%arg9 : memref<128xi32, #tpu.memory_space<vmem>>) semaphore(%arg16 : memref<!tpu.dma_semaphore, #tpu.memory_space<semaphore_mem>>) {add = true}
    %dma_wait3A_348 = arith.constant 0 : i32
    %dma_wait3A_349 = arith.constant 0 : i32
    %dma_wait3A_350 = tpu.memref_slice %arg12[%dma_wait3A_348, %dma_wait3A_349] : memref<10240x128xf32, #tpu.memory_space<vmem_shared>> -> memref<10240x128xf32, #tpu.memory_space<vmem_shared>>
    tpu.wait_indirect_dma semaphore(%arg16 : memref<!tpu.dma_semaphore, #tpu.memory_space<semaphore_mem>>) src(%arg11 : memref<128x128xf32, #tpu.memory_space<vmem>>) dst(%dma_wait3A_350 : memref<10240x128xf32, #tpu.memory_space<vmem_shared>>)
    %barrier3A_351 = arith.constant 0 : index
    tpu.barrier barrier_id(%barrier3A_351)
    "tpu.region"() ({
      %run_scoped3A = tpu.sem_alloc : memref<!tpu.dma_semaphore, #tpu.memory_space<semaphore_mem>>
      %dma_start3A_352 = arith.constant 0 : i32
      %dma_start3A_353 = tpu.memref_slice %arg4[%arg0, %mul3A_2, %dma_start3A_352] : memref<2x10240x128xf32, #tpu.memory_space<hbm>> -> memref<1x640x128xf32, #tpu.memory_space<hbm>>
      %dma_start3A_354 = tpu.memref_squeeze %dma_start3A_353 : memref<1x640x128xf32, #tpu.memory_space<hbm>> -> memref<640x128xf32, #tpu.memory_space<hbm>>
      %dma_start3A_355 = arith.constant 0 : i32
      %dma_start3A_356 = tpu.memref_slice %arg12[%mul3A_2, %dma_start3A_355] : memref<10240x128xf32, #tpu.memory_space<vmem_shared>> -> memref<640x128xf32, #tpu.memory_space<vmem_shared>>
      tpu.enqueue_dma source(%dma_start3A_356 : memref<640x128xf32, #tpu.memory_space<vmem_shared>>) target(%dma_start3A_354 : memref<640x128xf32, #tpu.memory_space<hbm>>) target_semaphore(%run_scoped3A : memref<!tpu.dma_semaphore, #tpu.memory_space<semaphore_mem>>)
      %dma_wait3A_357 = arith.constant 0 : i32
      %dma_wait3A_358 = tpu.memref_slice %arg4[%arg0, %mul3A_2, %dma_wait3A_357] : memref<2x10240x128xf32, #tpu.memory_space<hbm>> -> memref<1x640x128xf32, #tpu.memory_space<hbm>>
      %dma_wait3A_359 = tpu.memref_squeeze %dma_wait3A_358 : memref<1x640x128xf32, #tpu.memory_space<hbm>> -> memref<640x128xf32, #tpu.memory_space<hbm>>
      %dma_wait3A_360 = arith.constant 0 : i32
      %dma_wait3A_361 = tpu.memref_slice %arg12[%mul3A_2, %dma_wait3A_360] : memref<10240x128xf32, #tpu.memory_space<vmem_shared>> -> memref<640x128xf32, #tpu.memory_space<vmem_shared>>
      tpu.wait_dma2 semaphore(%run_scoped3A : memref<!tpu.dma_semaphore, #tpu.memory_space<semaphore_mem>>) src(%dma_wait3A_361 : memref<640x128xf32, #tpu.memory_space<vmem_shared>>) dst(%dma_wait3A_359 : memref<640x128xf32, #tpu.memory_space<hbm>>)
      tpu.yield
    }) : () -> ()
    return
  }
}

module attributes {stable_mosaic.version = 14 : i64} {
  func.func @_enc_body(%arg0: i32, %arg1: memref<2048x128xf32, #tpu.memory_space<vmem>>, %arg2: memref<128x128xf32, #tpu.memory_space<vmem>>, %arg3: memref<1x128xf32, #tpu.memory_space<vmem>>, %arg4: memref<2048x128xf32, #tpu.memory_space<vmem>>) attributes {dimension_semantics = [#tpu.dimension_semantics<arbitrary>], iteration_bounds = array<i64: 5>, scalar_prefetch = 0 : i64, scratch_operands = 0 : i64, tpu.core_type = #tpu.core_type<tc>, window_params = [{transform_indices = @transform_0, window_bounds = array<i64: 2048, 128>}, {pipeline_mode = #tpu.pipeline_mode<synchronous>, transform_indices = @transform_1, window_bounds = array<i64: 128, 128>}, {pipeline_mode = #tpu.pipeline_mode<synchronous>, transform_indices = @transform_2, window_bounds = array<i64: 1, 128>}, {transform_indices = @transform_3, window_bounds = array<i64: 2048, 128>}]} {
    %get3A = arith.constant 0 : index
    %get3A_0 = arith.constant 0 : index
    %get3A_1 = vector.load %arg1[%get3A, %get3A_0] : memref<2048x128xf32, #tpu.memory_space<vmem>>, vector<2048x128xf32>
    %get3A_2 = arith.constant 0 : index
    %get3A_3 = arith.constant 0 : index
    %get3A_4 = vector.load %arg2[%get3A_2, %get3A_3] : memref<128x128xf32, #tpu.memory_space<vmem>>, vector<128x128xf32>
    %dot_general3A = arith.constant dense<0.000000e+00> : vector<2048x128xf32>
    %dot_general3A_5 = tpu.matmul %get3A_1, %get3A_4, %dot_general3A {dimension_numbers = #tpu.dot_dimension_numbers<[1], [0], [0], [1], [0, 0, 1, 1], [], []>, transpose_lhs_hint = false} : vector<2048x128xf32>, vector<128x128xf32>, vector<2048x128xf32> -> vector<2048x128xf32>
    %get3A_6 = arith.constant 0 : index
    %get3A_7 = arith.constant 0 : index
    %get3A_8 = vector.load %arg3[%get3A_6, %get3A_7] : memref<1x128xf32, #tpu.memory_space<vmem>>, vector<1x128xf32>
    %add3A = vector.broadcast %get3A_8 : vector<1x128xf32> to vector<2048x128xf32>
    %add3A_9 = arith.addf %dot_general3A_5, %add3A : vector<2048x128xf32>
    %max3A = arith.constant 0.000000e+00 : f32
    %max3A_10 = vector.broadcast %max3A : f32 to vector<2048x128xf32>
    %max3A_11 = arith.maximumf %add3A_9, %max3A_10 : vector<2048x128xf32>
    %swap3A = arith.constant 0 : index
    %swap3A_12 = arith.constant 0 : index
    %swap3A_13 = vector.load %arg4[%swap3A, %swap3A_12] : memref<2048x128xf32, #tpu.memory_space<vmem>>, vector<2048x128xf32>
    tpu.vector_store %arg4[%swap3A, %swap3A_12], %max3A_11 {strides = array<i32>} : memref<2048x128xf32, #tpu.memory_space<vmem>>, vector<2048x128xf32>,
    return
  }
  func.func @transform_0(%arg0: i32) -> (i32, i32) {
    %c0_i32 = arith.constant 0 : i32
    %c0_i32_0 = arith.constant 0 : i32
    return %arg0, %c0_i32 : i32, i32
  }
  func.func @transform_1(%arg0: i32) -> (i32, i32) {
    %c0_i32 = arith.constant 0 : i32
    %c0_i32_0 = arith.constant 0 : i32
    %c0_i32_1 = arith.constant 0 : i32
    return %c0_i32, %c0_i32_0 : i32, i32
  }
  func.func @transform_2(%arg0: i32) -> (i32, i32) {
    %c0_i32 = arith.constant 0 : i32
    %c0_i32_0 = arith.constant 0 : i32
    %c0_i32_1 = arith.constant 0 : i32
    return %c0_i32, %c0_i32_0 : i32, i32
  }
  func.func @transform_3(%arg0: i32) -> (i32, i32) {
    %c0_i32 = arith.constant 0 : i32
    %c0_i32_0 = arith.constant 0 : i32
    return %arg0, %c0_i32 : i32, i32
  }
}

module attributes {stable_mosaic.version = 14 : i64} {
  func.func @_out_body(%arg0: i32, %arg1: memref<2000x128xf32, #tpu.memory_space<vmem>>, %arg2: memref<2000x128xf32, #tpu.memory_space<vmem>>, %arg3: memref<2000x128xf32, #tpu.memory_space<vmem>>, %arg4: memref<2000x1xf32, #tpu.memory_space<vmem>>, %arg5: memref<2000x1xf32, #tpu.memory_space<vmem>>, %arg6: memref<128x128xf32, #tpu.memory_space<vmem>>, %arg7: memref<128x128xf32, #tpu.memory_space<vmem>>, %arg8: memref<1x128xf32, #tpu.memory_space<vmem>>, %arg9: memref<1x128xf32, #tpu.memory_space<vmem>>, %arg10: memref<128x128xf32, #tpu.memory_space<vmem>>, %arg11: memref<128x128xf32, #tpu.memory_space<vmem>>, %arg12: memref<1x128xf32, #tpu.memory_space<vmem>>, %arg13: memref<1x128xf32, #tpu.memory_space<vmem>>, %arg14: memref<2000x128xf32, #tpu.memory_space<vmem>>) attributes {dimension_semantics = [#tpu.dimension_semantics<arbitrary>], iteration_bounds = array<i64: 5>, scalar_prefetch = 0 : i64, scratch_operands = 0 : i64, tpu.core_type = #tpu.core_type<tc>, window_params = [{transform_indices = @transform_0, window_bounds = array<i64: 2000, 128>}, {transform_indices = @transform_1, window_bounds = array<i64: 2000, 128>}, {transform_indices = @transform_2, window_bounds = array<i64: 2000, 128>}, {transform_indices = @transform_3, window_bounds = array<i64: 2000, 1>}, {transform_indices = @transform_4, window_bounds = array<i64: 2000, 1>}, {pipeline_mode = #tpu.pipeline_mode<synchronous>, transform_indices = @transform_5, window_bounds = array<i64: 128, 128>}, {pipeline_mode = #tpu.pipeline_mode<synchronous>, transform_indices = @transform_6, window_bounds = array<i64: 128, 128>}, {pipeline_mode = #tpu.pipeline_mode<synchronous>, transform_indices = @transform_7, window_bounds = array<i64: 1, 128>}, {pipeline_mode = #tpu.pipeline_mode<synchronous>, transform_indices = @transform_8, window_bounds = array<i64: 1, 128>}, {pipeline_mode = #tpu.pipeline_mode<synchronous>, transform_indices = @transform_9, window_bounds = array<i64: 128, 128>}, {pipeline_mode = #tpu.pipeline_mode<synchronous>, transform_indices = @transform_10, window_bounds = array<i64: 128, 128>}, {pipeline_mode = #tpu.pipeline_mode<synchronous>, transform_indices = @transform_11, window_bounds = array<i64: 1, 128>}, {pipeline_mode = #tpu.pipeline_mode<synchronous>, transform_indices = @transform_12, window_bounds = array<i64: 1, 128>}, {transform_indices = @transform_13, window_bounds = array<i64: 2000, 128>}]} {
    %get3A = arith.constant 0 : index
    %get3A_0 = arith.constant 0 : index
    %get3A_1 = vector.load %arg4[%get3A, %get3A_0] : memref<2000x1xf32, #tpu.memory_space<vmem>>, vector<2000x1xf32>
    %get3A_2 = arith.constant 0 : index
    %get3A_3 = arith.constant 0 : index
    %get3A_4 = vector.load %arg5[%get3A_2, %get3A_3] : memref<2000x1xf32, #tpu.memory_space<vmem>>, vector<2000x1xf32>
    %add3A = arith.addf %get3A_1, %get3A_4 : vector<2000x1xf32>
    %sub3A = arith.constant 1.000000e+00 : f32
    %sub3A_5 = vector.broadcast %sub3A : f32 to vector<2000x1xf32>
    %sub3A_6 = arith.subf %add3A, %sub3A_5 : vector<2000x1xf32>
    %rsqrt3A = math.rsqrt %sub3A_6 : vector<2000x1xf32>
    %get3A_7 = arith.constant 0 : index
    %get3A_8 = arith.constant 0 : index
    %get3A_9 = vector.load %arg1[%get3A_7, %get3A_8] : memref<2000x128xf32, #tpu.memory_space<vmem>>, vector<2000x128xf32>
    %get3A_10 = arith.constant 0 : index
    %get3A_11 = arith.constant 0 : index
    %get3A_12 = vector.load %arg2[%get3A_10, %get3A_11] : memref<2000x128xf32, #tpu.memory_space<vmem>>, vector<2000x128xf32>
    %add3A_13 = arith.addf %get3A_9, %get3A_12 : vector<2000x128xf32>
    %get3A_14 = arith.constant 0 : index
    %get3A_15 = arith.constant 0 : index
    %get3A_16 = vector.load %arg3[%get3A_14, %get3A_15] : memref<2000x128xf32, #tpu.memory_space<vmem>>, vector<2000x128xf32>
    %sub3A_17 = arith.subf %add3A_13, %get3A_16 : vector<2000x128xf32>
    %mul3A = vector.broadcast %rsqrt3A : vector<2000x1xf32> to vector<2000x128xf32>
    %mul3A_18 = arith.mulf %sub3A_17, %mul3A : vector<2000x128xf32>
    %get3A_19 = arith.constant 0 : index
    %get3A_20 = arith.constant 0 : index
    %get3A_21 = vector.load %arg6[%get3A_19, %get3A_20] : memref<128x128xf32, #tpu.memory_space<vmem>>, vector<128x128xf32>
    %get3A_22 = arith.constant 0 : index
    %get3A_23 = arith.constant 0 : index
    %get3A_24 = vector.load %arg7[%get3A_22, %get3A_23] : memref<128x128xf32, #tpu.memory_space<vmem>>, vector<128x128xf32>
    %dot_general3A = arith.constant dense<0.000000e+00> : vector<128x128xf32>
    %dot_general3A_25 = tpu.matmul %get3A_21, %get3A_24, %dot_general3A {dimension_numbers = #tpu.dot_dimension_numbers<[1], [0], [0], [1], [0, 0, 1, 1], [], []>, transpose_lhs_hint = false} : vector<128x128xf32>, vector<128x128xf32>, vector<128x128xf32> -> vector<128x128xf32>
    %get3A_26 = arith.constant 0 : index
    %get3A_27 = arith.constant 0 : index
    %get3A_28 = vector.load %arg8[%get3A_26, %get3A_27] : memref<1x128xf32, #tpu.memory_space<vmem>>, vector<1x128xf32>
    %get3A_29 = arith.constant 0 : index
    %get3A_30 = arith.constant 0 : index
    %get3A_31 = vector.load %arg7[%get3A_29, %get3A_30] : memref<128x128xf32, #tpu.memory_space<vmem>>, vector<128x128xf32>
    %dot_general3A_32 = arith.constant dense<0.000000e+00> : vector<1x128xf32>
    %dot_general3A_33 = tpu.matmul %get3A_28, %get3A_31, %dot_general3A_32 {dimension_numbers = #tpu.dot_dimension_numbers<[1], [0], [0], [1], [0, 0, 1, 1], [], []>, transpose_lhs_hint = false} : vector<1x128xf32>, vector<128x128xf32>, vector<1x128xf32> -> vector<1x128xf32>
    %get3A_34 = arith.constant 0 : index
    %get3A_35 = arith.constant 0 : index
    %get3A_36 = vector.load %arg9[%get3A_34, %get3A_35] : memref<1x128xf32, #tpu.memory_space<vmem>>, vector<1x128xf32>
    %add3A_37 = arith.addf %dot_general3A_33, %get3A_36 : vector<1x128xf32>
    %get3A_38 = arith.constant 0 : index
    %get3A_39 = arith.constant 0 : index
    %get3A_40 = vector.load %arg10[%get3A_38, %get3A_39] : memref<128x128xf32, #tpu.memory_space<vmem>>, vector<128x128xf32>
    %get3A_41 = arith.constant 0 : index
    %get3A_42 = arith.constant 0 : index
    %get3A_43 = vector.load %arg11[%get3A_41, %get3A_42] : memref<128x128xf32, #tpu.memory_space<vmem>>, vector<128x128xf32>
    %dot_general3A_44 = arith.constant dense<0.000000e+00> : vector<128x128xf32>
    %dot_general3A_45 = tpu.matmul %get3A_40, %get3A_43, %dot_general3A_44 {dimension_numbers = #tpu.dot_dimension_numbers<[1], [0], [0], [1], [0, 0, 1, 1], [], []>, transpose_lhs_hint = false} : vector<128x128xf32>, vector<128x128xf32>, vector<128x128xf32> -> vector<128x128xf32>
    %get3A_46 = arith.constant 0 : index
    %get3A_47 = arith.constant 0 : index
    %get3A_48 = vector.load %arg12[%get3A_46, %get3A_47] : memref<1x128xf32, #tpu.memory_space<vmem>>, vector<1x128xf32>
    %get3A_49 = arith.constant 0 : index
    %get3A_50 = arith.constant 0 : index
    %get3A_51 = vector.load %arg11[%get3A_49, %get3A_50] : memref<128x128xf32, #tpu.memory_space<vmem>>, vector<128x128xf32>
    %dot_general3A_52 = arith.constant dense<0.000000e+00> : vector<1x128xf32>
    %dot_general3A_53 = tpu.matmul %get3A_48, %get3A_51, %dot_general3A_52 {dimension_numbers = #tpu.dot_dimension_numbers<[1], [0], [0], [1], [0, 0, 1, 1], [], []>, transpose_lhs_hint = false} : vector<1x128xf32>, vector<128x128xf32>, vector<1x128xf32> -> vector<1x128xf32>
    %get3A_54 = arith.constant 0 : index
    %get3A_55 = arith.constant 0 : index
    %get3A_56 = vector.load %arg13[%get3A_54, %get3A_55] : memref<1x128xf32, #tpu.memory_space<vmem>>, vector<1x128xf32>
    %add3A_57 = arith.addf %dot_general3A_53, %get3A_56 : vector<1x128xf32>
    %dot_general3A_58 = arith.constant dense<0.000000e+00> : vector<2000x128xf32>
    %dot_general3A_59 = tpu.matmul %mul3A_18, %dot_general3A_25, %dot_general3A_58 {dimension_numbers = #tpu.dot_dimension_numbers<[1], [0], [0], [1], [0, 0, 1, 1], [], []>, transpose_lhs_hint = false} : vector<2000x128xf32>, vector<128x128xf32>, vector<2000x128xf32> -> vector<2000x128xf32>
    %add3A_60 = vector.broadcast %add3A_37 : vector<1x128xf32> to vector<2000x128xf32>
    %add3A_61 = arith.addf %dot_general3A_59, %add3A_60 : vector<2000x128xf32>
    %logistic3A = arith.negf %add3A_61 : vector<2000x128xf32>
    %logistic3A_62 = math.exp %logistic3A : vector<2000x128xf32>
    %logistic3A_63 = arith.constant 1.000000e+00 : f32
    %logistic3A_64 = vector.broadcast %logistic3A_63 : f32 to vector<2000x128xf32>
    %logistic3A_65 = arith.addf %logistic3A_64, %logistic3A_62 : vector<2000x128xf32>
    %logistic3A_66 = arith.divf %logistic3A_64, %logistic3A_65 : vector<2000x128xf32>
    %dot_general3A_67 = arith.constant dense<0.000000e+00> : vector<2000x128xf32>
    %dot_general3A_68 = tpu.matmul %mul3A_18, %dot_general3A_45, %dot_general3A_67 {dimension_numbers = #tpu.dot_dimension_numbers<[1], [0], [0], [1], [0, 0, 1, 1], [], []>, transpose_lhs_hint = false} : vector<2000x128xf32>, vector<128x128xf32>, vector<2000x128xf32> -> vector<2000x128xf32>
    %add3A_69 = vector.broadcast %add3A_57 : vector<1x128xf32> to vector<2000x128xf32>
    %add3A_70 = arith.addf %dot_general3A_68, %add3A_69 : vector<2000x128xf32>
    %tanh3A = math.tanh %add3A_70 : vector<2000x128xf32>
    %sub3A_71 = arith.constant 1.000000e+00 : f32
    %sub3A_72 = vector.broadcast %sub3A_71 : f32 to vector<2000x128xf32>
    %sub3A_73 = arith.subf %sub3A_72, %logistic3A_66 : vector<2000x128xf32>
    %mul3A_74 = arith.mulf %sub3A_73, %tanh3A : vector<2000x128xf32>
    %swap3A = arith.constant 0 : index
    %swap3A_75 = arith.constant 0 : index
    %swap3A_76 = vector.load %arg14[%swap3A, %swap3A_75] : memref<2000x128xf32, #tpu.memory_space<vmem>>, vector<2000x128xf32>
    tpu.vector_store %arg14[%swap3A, %swap3A_75], %mul3A_74 {strides = array<i32>} : memref<2000x128xf32, #tpu.memory_space<vmem>>, vector<2000x128xf32>,
    return
  }
  func.func @transform_0(%arg0: i32) -> (i32, i32) {
    %c0_i32 = arith.constant 0 : i32
    %c0_i32_0 = arith.constant 0 : i32
    return %arg0, %c0_i32 : i32, i32
  }
  func.func @transform_1(%arg0: i32) -> (i32, i32) {
    %c0_i32 = arith.constant 0 : i32
    %c0_i32_0 = arith.constant 0 : i32
    return %arg0, %c0_i32 : i32, i32
  }
  func.func @transform_2(%arg0: i32) -> (i32, i32) {
    %c0_i32 = arith.constant 0 : i32
    %c0_i32_0 = arith.constant 0 : i32
    return %arg0, %c0_i32 : i32, i32
  }
  func.func @transform_3(%arg0: i32) -> (i32, i32) {
    %c0_i32 = arith.constant 0 : i32
    %c0_i32_0 = arith.constant 0 : i32
    return %arg0, %c0_i32 : i32, i32
  }
  func.func @transform_4(%arg0: i32) -> (i32, i32) {
    %c0_i32 = arith.constant 0 : i32
    %c0_i32_0 = arith.constant 0 : i32
    return %arg0, %c0_i32 : i32, i32
  }
  func.func @transform_5(%arg0: i32) -> (i32, i32) {
    %c0_i32 = arith.constant 0 : i32
    %c0_i32_0 = arith.constant 0 : i32
    %c0_i32_1 = arith.constant 0 : i32
    return %c0_i32, %c0_i32_0 : i32, i32
  }
  func.func @transform_6(%arg0: i32) -> (i32, i32) {
    %c0_i32 = arith.constant 0 : i32
    %c0_i32_0 = arith.constant 0 : i32
    %c0_i32_1 = arith.constant 0 : i32
    return %c0_i32, %c0_i32_0 : i32, i32
  }
  func.func @transform_7(%arg0: i32) -> (i32, i32) {
    %c0_i32 = arith.constant 0 : i32
    %c0_i32_0 = arith.constant 0 : i32
    %c0_i32_1 = arith.constant 0 : i32
    return %c0_i32, %c0_i32_0 : i32, i32
  }
  func.func @transform_8(%arg0: i32) -> (i32, i32) {
    %c0_i32 = arith.constant 0 : i32
    %c0_i32_0 = arith.constant 0 : i32
    %c0_i32_1 = arith.constant 0 : i32
    return %c0_i32, %c0_i32_0 : i32, i32
  }
  func.func @transform_9(%arg0: i32) -> (i32, i32) {
    %c0_i32 = arith.constant 0 : i32
    %c0_i32_0 = arith.constant 0 : i32
    %c0_i32_1 = arith.constant 0 : i32
    return %c0_i32, %c0_i32_0 : i32, i32
  }
  func.func @transform_10(%arg0: i32) -> (i32, i32) {
    %c0_i32 = arith.constant 0 : i32
    %c0_i32_0 = arith.constant 0 : i32
    %c0_i32_1 = arith.constant 0 : i32
    return %c0_i32, %c0_i32_0 : i32, i32
  }
  func.func @transform_11(%arg0: i32) -> (i32, i32) {
    %c0_i32 = arith.constant 0 : i32
    %c0_i32_0 = arith.constant 0 : i32
    %c0_i32_1 = arith.constant 0 : i32
    return %c0_i32, %c0_i32_0 : i32, i32
  }
  func.func @transform_12(%arg0: i32) -> (i32, i32) {
    %c0_i32 = arith.constant 0 : i32
    %c0_i32_0 = arith.constant 0 : i32
    %c0_i32_1 = arith.constant 0 : i32
    return %c0_i32, %c0_i32_0 : i32, i32
  }
  func.func @transform_13(%arg0: i32) -> (i32, i32) {
    %c0_i32 = arith.constant 0 : i32
    %c0_i32_0 = arith.constant 0 : i32
    return %arg0, %c0_i32 : i32, i32
  }
}

</mosaic_0001>

<sc_bundles>
// kernel: kernel.6.cloned.1.call-start
scs
__scs_entry_jumppad:
0x0: {  	(pc) =	sbr.rel $0x88, $3  }
0x1: {  	(tag) =	ssettag $0x0;
	lr =	simm.s32 $0x1  }
0x2: {  	[smem:$0x3F95] =	sst lr;
	_ =	strace $0xD0000000  }
0x3: {  	_ = 	snop  }
0x4: {  	_ = 	snop  }
0x5: {  	_ = 	snop  }
0x6: {  	_ = 	snop  }
0x7: {  	_ = 	snop  }
__scs_overlays_trampoline_lowered:
0x8: {  	[smem:$0x3FA4] =	sst s0  }
0x9: {  	[smem:$0x3FA5] =	sst s1  }
0xa: {  	[smem:$0x3FA6] =	sst s2  }
0xb: {  	[smem:$0x3FA7] =	sst s3  }
0xc: {  	[smem:$0x3FA8] =	sst s4  }
0xd: {  	[smem:$0x3FA9] =	sst s5  }
0xe: {  	[smem:$0x3FAA] =	sst s6  }
0xf: {  	[smem:$0x3FAB] =	sst s7  }
0x10: {  	[smem:$0x3FAC] =	sst s8  }
0x11: {  	[smem:$0x3FAD] =	sst s9;
	s0 =	simm.s32 @!p0 $0x0  }
0x12: {  	s1 =	sld [smem:$0x3F93];
	s0 =	simm.s32 @p0 $0x1  }
0x13: {  	[smem:$0x3FAE] =	sst s0;
	s0 =	simm.s32 @!p1 $0x0  }
0x14: {  	s2 =	sld [smem:$0x3F92];
	s0 =	simm.s32 @p1 $0x1  }
0x15: {  	[smem:$0x3FAF] =	sst s0;
	s0 =	simm.s32 @!p2 $0x0  }
0x16: {  	s3 =	sld [smem:$0x3FDB];
	s0 =	simm.s32 @p2 $0x1  }
0x17: {  	s4 =	simm.s32 $0x1BF5;
	[smem:$0x3FB1] =	sst s0  }
0x18: {  	s0 =	sld [smem:$0x3F94];
	_ =	swait.ge [sflag:s4], $0x0  }
0x19: {  	s7 =	sld [smem:$0x3F95]  }
0x1a: {  	s8 =	sadd.s32 $0xFFFFE003, lr  }
0x1b: {  	s9 =	sadd.s32 $0xFFFFFEF7, lr;
	s5 =	simm.s32 $0xFFFFFFFF;
	p2 =	slt.u32 s8, $0xFFFFF086  }
0x1c: {  	p1 =	slt.u32 s9, $0xF7A;
	s5 =	simm.s32 @!p2 $0x0  }
0x1d: {  	s5 =	simm.s32 @p1 $0x1;
	p0 =	seq.s32 s7, s2  }
0x1e: {  	s7 =	smul.u32 @!p0 $0xF7A, s2;
	p2 =	seq.s32 @!p0 s5, $0x0  }
0x1f: {  	s9 =	smul.u32 $0xF7A, s1;
	s8 =	simm.s32 @!p0 $0x1BF5;
	p2 =	por !p2, p0  }
0x20: {  	[sflag:s8] =	ssyncset.s32 @!p0 $0xFFFFF086;
	s6 =	sadd.s32 @!p0 s3, s7;
	s7 =	simm.s32 @!p0 $0x108  }
0x21: {  	s3 =	sadd.s32 s3, s9;
	s6 =	sadd.s32 @!p0 $0x88, s6;
	s7 =	simm.s32 @p2 $0x1082  }
0x22: {  	[simem:s7], [sflag:s8] =	dma.local @!p0 [hbm:s6], $0xF7A  }
0x23: {  	s9 =	sor.u32 $0xD0000000, s2;
	s6 =	simm.s32 $0x108;
	_ =	swait.ge @!p0 [sflag:s8], $0x0  }
0x24: {  	s3 =	sadd.s32 $0x88, s3;
	s6 =	simm.s32 @!p1 $0x1082;
	[sflag:s4] =	ssyncset.s32 $0xFFFFF086  }
0x25: {  	[simem:s6], [sflag:s4] =	dma.local [hbm:s3], $0xF7A  }
0x26: {  	[smem:$0x3F95] =	sst s1;
	(tag) =	ssettag s2;
	_ =	strace s9  }
0x27: {  	s1 =	sld [smem:$0x3FA5]  }
0x28: {  	s2 =	sld [smem:$0x3FA6]  }
0x29: {  	s4 =	sld [smem:$0x3FA8]  }
0x2a: {  	p0 =	seq.s32 s5, $0x0;
	s5 =	sld [smem:$0x3FA9]  }
0x2b: {  	s6 =	sld [smem:$0x3FAA]  }
0x2c: {  	s7 =	sld [smem:$0x3FAB]  }
0x2d: {  	s3 =	simm.s32 $0x108;
	s8 =	sld [smem:$0x3FAC]  }
0x2e: {  	s3 =	simm.s32 @!p0 $0x1082;
	s9 =	sld [smem:$0x3FAD]  }
0x2f: {  	lr =	sadd.s32 s0, s3;
	s0 =	sld [smem:$0x3FA4]  }
0x30: {  	s3 =	sld [smem:$0x3FA7]  }
0x31: {  	[smem:$0x3FB0] =	sst s10  }
0x32: {  	s10 =	sld [smem:$0x3FAE];
	_ =	sdelay $0x3  }
0x33: {  	p0 =	seq.s32 s10, $0x1;
	s10 =	sld [smem:$0x3FB0];
	_ =	sdelay $0x3  }
0x34: {  	[smem:$0x3FB0] =	sst s10  }
0x35: {  	s10 =	sld [smem:$0x3FAF];
	_ =	sdelay $0x3  }
0x36: {  	p1 =	seq.s32 s10, $0x1;
	s10 =	sld [smem:$0x3FB0];
	_ =	sdelay $0x3  }
0x37: {  	[smem:$0x3FB0] =	sst s10  }
0x38: {  	s10 =	sld [smem:$0x3FB1]  }
0x39: {  	_ = 	snop;
	(pc) =	sbr.ind lr, $3  }
0x3a: {  	_ = 	snop  }
0x3b: {  	_ = 	snop  }
0x3c: {  	p2 =	seq.s32 s10, $0x1;
	s10 =	sld [smem:$0x3FB0]  }
0x3d: {  	_ =	shalt  }
0x3e: {  	_ =	shalt  }
0x3f: {  	_ =	shalt  }
0x40: {  	_ =	shalt  }
0x41: {  	_ =	shalt  }
0x42: {  	_ =	shalt  }
0x43: {  	_ =	shalt  }
0x44: {  	_ =	shalt  }
0x45: {  	_ =	shalt  }
0x46: {  	_ =	shalt  }
0x47: {  	_ =	shalt  }
0x48: {  	_ =	shalt  }
0x49: {  	_ =	shalt  }
0x4a: {  	_ =	shalt  }
0x4b: {  	_ =	shalt  }
0x4c: {  	_ =	shalt  }
0x4d: {  	_ =	shalt  }
0x4e: {  	_ =	shalt  }
0x4f: {  	_ =	shalt  }
0x50: {  	_ =	shalt  }
0x51: {  	_ =	shalt  }
0x52: {  	_ =	shalt  }
0x53: {  	_ =	shalt  }
0x54: {  	_ =	shalt  }
0x55: {  	_ =	shalt  }
0x56: {  	_ =	shalt  }
0x57: {  	_ =	shalt  }
0x58: {  	_ =	shalt  }
0x59: {  	_ =	shalt  }
0x5a: {  	_ =	shalt  }
0x5b: {  	_ =	shalt  }
0x5c: {  	_ =	shalt  }
0x5d: {  	_ =	shalt  }
0x5e: {  	_ =	shalt  }
0x5f: {  	_ =	shalt  }
0x60: {  	_ =	shalt  }
0x61: {  	_ =	shalt  }
0x62: {  	_ =	shalt  }
0x63: {  	_ =	shalt  }
0x64: {  	_ =	shalt  }
0x65: {  	_ =	shalt  }
0x66: {  	_ =	shalt  }
0x67: {  	_ =	shalt  }
0x68: {  	_ =	shalt  }
0x69: {  	_ =	shalt  }
0x6a: {  	_ =	shalt  }
0x6b: {  	_ =	shalt  }
0x6c: {  	_ =	shalt  }
0x6d: {  	_ =	shalt  }
0x6e: {  	_ =	shalt  }
0x6f: {  	_ =	shalt  }
0x70: {  	_ =	shalt  }
0x71: {  	_ =	shalt  }
0x72: {  	_ =	shalt  }
0x73: {  	_ =	shalt  }
0x74: {  	_ =	shalt  }
0x75: {  	_ =	shalt  }
0x76: {  	_ =	shalt  }
0x77: {  	_ =	shalt  }
0x78: {  	_ =	shalt  }
0x79: {  	_ =	shalt  }
0x7a: {  	_ =	shalt  }
0x7b: {  	_ =	shalt  }
0x7c: {  	_ =	shalt  }
0x7d: {  	_ =	shalt  }
0x7e: {  	_ =	shalt  }
0x7f: {  	_ =	shalt  }
0x80: {  	_ =	shalt  }
0x81: {  	_ =	shalt  }
0x82: {  	_ =	shalt  }
0x83: {  	_ =	shalt  }
0x84: {  	_ =	shalt  }
0x85: {  	_ =	shalt  }
0x86: {  	_ =	shalt  }
0x87: {  	_ =	shalt  }
.Lfunc_end0:
.L_simem_size_0:
called_computation_lowered:
.L_overlay_start_0:
0x88: {  	s2 =	sld [smem:$0x3FD9]  }
0x89: {  	s3 =	sld [smem:$0x3FFE];
	_ =	sdelay $0x1  }
0x8a: {  	s1 =	srdreg.scid  }
0x8b: {  	s0 =	sand.u32 $0x1, s1  }
0x8c: {  	s16 =	sshll.u32 s0, $0xA;
	s2 =	sadd.s32 s3, s2  }
0x8d: {  	s2 =	sadd.s32 s2, s16  }
0x8e: {  	[smem:$0x3FBC] =	sst s2  }
0x8f: {  	_ = 	snop  }
0x90: {  	(tm) =	ssettm $0x1  }
0x91: {  	s17 =	sld [smem:$0x3FFB];
	_ =	sdelay $0x3  }
0x92: {  	_ =	strace s17  }
0x93: {  	s2 =	sld [smem:$0x3FFC];
	_ =	sdelay $0x3  }
0x94: {  	_ =	strace s2  }
0x95: {  	s2 =	sld [smem:$0x3FFD];
	_ =	sdelay $0x3  }
0x96: {  	_ =	strace s2  }
0x97: {  	_ =	strace $0x8FFFFFFF  }
0x98: {  	s18 =	sld [smem:$0x3FDB];
	_ =	sdelay $0x1  }
0x99: {  	s19 =	simm.s32 $_scs_section_size  }
0x9a: {  	s4 =	simm.s32 $_size__tile_overlayer_lowered;
	s5 =	simm.s32 $_tile_overlayer_lowered  }
0x9b: {  	s22 =	simm.s32 $0x1BFF;
	s21 =	sshll.u32 s5, $0x1;
	s2 =	sadd.s32 s19, s18  }
0x9c: {  	s6 =	simm.s32 $0x0;
	s20 =	sshll.u32 s4, $0x1;
	s4 =	sadd.s32 s21, s2  }
0x9d: {  	[timem:s6], [sflag:s22] =	dma.local [hbm:s4], s20  }
0x9e: {  	_ =	swait.ge [sflag:s22], s20  }
0x9f: {  	s3 =	ssub.s32 $0x0, s20;
	[sflag:s22] =	ssyncset.done $0x0  }
0xa0: {  	[sflag:s22] =	ssyncadd.s32 s3;
	_ =	sdelay $0x1  }
0xa1: {  	s23 =	simm.s32 $0x1B8B  }
0xa2: {  	_ =	swait.ge [sflag:s23], $0x1  }
0xa3: {  	[sflag:s23] =	ssyncset.done $0x0  }
0xa4: {  	s25 =	simm.s32 $0x1B8E;
	s24 =	sld [smem:$0x3FFE];
	[sflag:s23] =	ssyncadd.s32 $0xFFFFFFFF  }
0xa5: {  	s26 =	simm.s32 $execute0_lowered;
	[smem:$0x3FD2] =	sst s25  }
0xa6: {  	s4 =	sshll.u32 s26, $0x1;
	_ =	strace $0x80000046;
	[dreg:$0x1] =	wrdreg $0xFFFFFFFF  }
0xa7: {  	s28 =	simm.s32 $_size_execute0_lowered;
	s2 =	sadd.s32 s2, s4;
	[dreg:$0x0] =	wrdreg $0x0  }
0xa8: {  	s4 =	sshll.u32 s28, $0x1;
	[dreg:$0x2] =	wrdreg s2  }
0xa9: {  	[dreg:$0x3] =	wrdreg s4  }
0xaa: {  	[dreg:$0x4] =	wrdreg $0xC0  }
0xab: {  	_ =	task [dreg:s6], $0x5FFFF  }
0xac: {  	[dreg:$0x1] =	wrdreg $0xFFFFFFFF  }
0xad: {  	[dreg:$0x0] =	wrdreg $0x60  }
0xae: {  	[dreg:$0x2] =	wrdreg s24  }
0xaf: {  	[dreg:$0x3] =	wrdreg $0x2B000  }
0xb0: {  	[dreg:$0x4] =	wrdreg $0x9  }
0xb1: {  	_ =	task.clear_ibuf [dreg:s6], $0x5FFFF;
	_ =	strace $0x90000046  }
0xb2: {  	s29 =	simm.s32 $0x9;
	_ =	strace $0x80000048  }
0xb3: {  	_ =	swait.ge [sflag:s29], $0x1  }
0xb4: {  	[sflag:s29] =	ssyncadd.s32 $0xFFFFFFFF  }
0xb5: {  	_ =	strace $0x90000048  }
0xb6: {  	_ =	sfence  }
0xb7: {  	s30 =	sld [smem:$0x0];
	_ =	sdelay $0x2  }
0xb8: {  	s31 =	sshll.u32 s1, $0xD;
	s1 =	sshrl.u32 s1, $0x2  }
0xb9: {  	s3 =	sand.u32 $0x4000, s31;
	s1 =	sadd.s32 s1, s30  }
0xba: {  	s0 =	sor.u32 s3, s0;
	s1 =	sshll.u32 s1, $0x11  }
0xbb: {  	s0 =	sor.u32 s1, s0  }
0xbc: {  	s0 =	sadd.s32 $0x8F2B, s0  }
0xbd: {  	[sflag:s0] =	ssyncadd.remote.s32 $0x1  }
0xbe: {  	_ =	sfence.sel $0xFFFF  }
0xbf: {  	[dreg:$0x0] =	wrdreg $0xFFFFFFFF;
	(pc) =	sbr.abs _section_cstart, $3  }
0xc0: {  	[dreg:$0x1] =	wrdreg $0xFFFFFFFF  }
0xc1: {  	_ =	task.clear_ibuf [dreg:s6], $0x2FFFF;
	_ =	strace $0x9FFFFFFF  }
0xc2: {  	(tm) =	ssettm $0x7FFFFFFF  }
0xc3: {  	_ =	shalt  }
tec
execute0_lowered:
.L_overlay_start_1:
0x0: {  	(tag) =	ssettag $0x1  }
0x1: {  	s4 =	rddreg [dreg:$0x0];
	s0 =	srdreg.scid  }
0x2: {  	s2 =	rddreg [dreg:$0x1];
	s1 =	stileid.u32  }
0x3: {  	s3 =	simm.s32 $0x0;
	s10 =	simm.s32 $0x80;
	s11 =	simm.s32 $0x2800  }
0x4: {  	s12 =	simm.s32 $0x1;
	s5 =	sand.u32 $0x1, s0;
	s0 =	rddreg [dreg:$0x2]  }
0x5: {  	s15 =	simm.s32 $0x0;
	s7 =	smul.u32 $0x280, s1;
	[smem:$0x7FF] =	sst s3  }
0x6: {  	s13 =	sshll.u32 s1, $0x6;
	s6 =	sshll.u32 s5, $0x4;
	s8 =	smul.u32 $0x2800, s5  }
0x7: {  	_ =	strace $0x80000047;
	s5 =	ssub.s32 $0x2, s5;
	s6 =	sor.u32 s1, s6  }
0x8: {  	s13 =	sor.u32 $0x1C02, s13;
	s9 =	sshrl.u32 s5, $0x1;
	s6 =	smul.u32 $0x500, s6  }
0x9: {  	s8 =	sadd.s32 s7, s8;
	s9 =	ssub.s32 s5, s9;
	s5 =	sadd.s32 s7, s2  }
0xa: {  	s8 =	sshrl.u32 s8, $0x3;
	s7 =	smax.u32 s9, $0x1;
	s9 =	simm.s32 $0x2880  }
0xb: {  	s14 =	sshrl.u32 s5, $0x3;
	s6 =	sadd.s32 s6, s4;
	s8 =	sadd.s32 s8, s4  }
0xc: {  	v0 =	vimm.f32 $1.000000000e+00;
	s4 =	sadd.s32 $0x2E00, s6;
	s6 =	sadd.s32 $0xCE00, s8;
	s8 =	simm.s32 $0x2  }
.LBB2_1:
0xd: {  	[tilespmem:$0x2800] =	vst v0  }
0xe: {  	[tilespmem:$0x2810] =	vst v0  }
0xf: {  	[tilespmem:$0x2820] =	vst v0  }
0x10: {  	[tilespmem:$0x2830] =	vst v0  }
0x11: {  	[tilespmem:$0x2840] =	vst v0  }
0x12: {  	[tilespmem:$0x2850] =	vst v0  }
0x13: {  	[tilespmem:$0x2860] =	vst v0  }
0x14: {  	[tilespmem:$0x2870] =	vst v0  }
0x15: {  	[tilespmem:$0x2880] =	vst v0  }
0x16: {  	[tilespmem:$0x2890] =	vst v0  }
0x17: {  	[tilespmem:$0x28A0] =	vst v0  }
0x18: {  	[tilespmem:$0x28B0] =	vst v0  }
0x19: {  	[tilespmem:$0x28C0] =	vst v0  }
0x1a: {  	[tilespmem:$0x28D0] =	vst v0  }
0x1b: {  	[tilespmem:$0x28E0] =	vst v0  }
0x1c: {  	[tilespmem:$0x28F0] =	vst v0  }
0x1d: {  	[tilespmem:$0x2900] =	vst v0  }
0x1e: {  	[tilespmem:$0x2910] =	vst v0  }
0x1f: {  	[tilespmem:$0x2920] =	vst v0  }
0x20: {  	[tilespmem:$0x2930] =	vst v0  }
0x21: {  	[tilespmem:$0x2940] =	vst v0  }
0x22: {  	[tilespmem:$0x2950] =	vst v0  }
0x23: {  	[tilespmem:$0x2960] =	vst v0  }
0x24: {  	[tilespmem:$0x2970] =	vst v0  }
0x25: {  	[tilespmem:$0x2980] =	vst v0  }
0x26: {  	[tilespmem:$0x2990] =	vst v0  }
0x27: {  	[tilespmem:$0x29A0] =	vst v0  }
0x28: {  	[tilespmem:$0x29B0] =	vst v0  }
0x29: {  	[tilespmem:$0x29C0] =	vst v0  }
0x2a: {  	[tilespmem:$0x29D0] =	vst v0  }
0x2b: {  	[tilespmem:$0x29E0] =	vst v0  }
0x2c: {  	[tilespmem:$0x29F0] =	vst v0  }
0x2d: {  	[tilespmem:$0x2A00] =	vst v0  }
0x2e: {  	[tilespmem:$0x2A10] =	vst v0  }
0x2f: {  	[tilespmem:$0x2A20] =	vst v0  }
0x30: {  	[tilespmem:$0x2A30] =	vst v0  }
0x31: {  	[tilespmem:$0x2A40] =	vst v0  }
0x32: {  	[tilespmem:$0x2A50] =	vst v0  }
0x33: {  	[tilespmem:$0x2A60] =	vst v0  }
0x34: {  	[tilespmem:$0x2A70] =	vst v0  }
0x35: {  	[tilespmem:$0x2A80] =	vst v0  }
0x36: {  	[tilespmem:$0x2A90] =	vst v0  }
0x37: {  	[tilespmem:$0x2AA0] =	vst v0  }
0x38: {  	[tilespmem:$0x2AB0] =	vst v0  }
0x39: {  	[tilespmem:$0x2AC0] =	vst v0  }
0x3a: {  	[tilespmem:$0x2AD0] =	vst v0  }
0x3b: {  	[tilespmem:$0x2AE0] =	vst v0  }
0x3c: {  	[tilespmem:$0x2AF0] =	vst v0  }
0x3d: {  	[tilespmem:s3], [sflag:$0x2] =	stream.linear.gather [hbm4b:s4+s3], $0x2800, $0x38;
	[tilespmem:$0x2D80] =	vst v63  }
0x3e: {  	_ =	swait.ge [sflag:s8], $0x2800  }
0x3f: {  	[sflag:s8] =	ssyncset.done $0x0  }
0x40: {  	[sflag:s8] =	ssyncadd.s32 $0xFFFFD800  }
0x41: {  	[spmem:s5] =	stream.linear.scatter [tilespmem:s9], [sflag:$0x2], $0x280, $0x38;
	[tilespmem:$0x2D80] =	vst v63  }
0x42: {  	_ =	swait.ge [sflag:s8], $0x280  }
0x43: {  	[sflag:s8] =	ssyncset.done $0x0  }
0x44: {  	[sflag:s8] =	ssyncadd.s32 $0xFFFFFD80  }
0x45: {  	s16 =	simm.s32 $0x0;
	[bflag:$0x0] =	sbarrier.arrive $0xFFFF  }
.LBB2_2:
0x46: {  	p0 =	sne.s32 s16, $0x9E00  }
.Ltmp0:
0x47: {  	_ = 	snop;
	(pc) =	sbr.rel @p0 .LBB2_2-.Ltmp0, $3  }
0x48: {  	_ =	sdelay $0x1  }
0x49: {  	s17 =	sshra.s32 s16, $0x2;
	s16 =	sadd.s32 $0x200, s16  }
0x4a: {  	[spmem:s2] =	stream.indirect.scatter.add.f32 [tilespmem:s11], [sflag:$0x1], $0x1, s17, s10, $0xb8;
	[tilespmem:$0x2D80] =	vst v63  }
0x4b: {  	_ =	swait.ge [sflag:s12], $0x80  }
0x4c: {  	s16 =	simm.s32 $0x4F;
	[sflag:s12] =	ssyncset.done $0x0  }
.LBB2_4:
0x4d: {  	p0 =	sne.s32 s16, $0x1;
	s16 =	sadd.s32 $0xFFFFFFFF, s16;
	[sflag:s12] =	ssyncadd.s32 $0xFFFFFF80  }
.Ltmp1:
0x4e: {  	(pc) =	sbr.rel @p0 .LBB2_4-.Ltmp1, $3  }
0x4f: {  	_ =	sdelay $0x1  }
0x50: {  	_ =	swait.ge [sflag:s12], $0x80  }
0x51: {  	[sflag:s12] =	ssyncset.done $0x0  }
0x52: {  	s15 =	sadd.s32 $0x1, s15  }
0x53: {  	[sflag:s12] =	ssyncadd.s32 $0xFFFFFF80;
	p0 =	sne.s32 s15, s7  }
.Ltmp2:
0x54: {  	[bflag:$0x0] =	sbarrier.arrive $0xFFFF;
	(pc) =	sbr.rel @p0 .LBB2_1-.Ltmp2, $4  }
0x55: {  	[hbm:s6], [sflag:s13] =	dma.local [spmem:s14], $0x50  }
0x56: {  	_ =	swait.ge [sflag:s8], $0x50  }
0x57: {  	[sflag:s8] =	ssyncset.done $0x0  }
0x58: {  	[sflag:s8] =	ssyncadd.s32 $0xFFFFFFB0  }
0x59: {  	_ =	sfence.sel $0x180000  }
0x5a: {  	[bflag:$0x0] =	sbarrier.arrive $0xFFFF  }
0x5b: {  	p0 =	sne.s32 s1, $0x0;
	_ =	strace $0x90000047  }
0x5c: {  	s0 =	sadd.s32 @!p0 $0x100000, s0;
	[bflag:$0x2] =	sbarrier.arrive $0xFFFF  }
0x5d: {  	[sflag:s0] =	ssyncadd.tile.s32 @!p0 $0x1;
	_ =	shalt  }
.Lfunc_end2:
_tile_overlayer_lowered:
.L_overlay_start_2:
0x5e: {  	(tag) =	ssettag $0x2  }
0x5f: {  	s0 =	rddreg [dreg:$0x0];
	s2 =	stileid.u32  }
0x60: {  	s1 =	rddreg [dreg:$0x1];
	p0 =	sne.s32 s2, $0x0  }
0x61: {  	s3 =	rddreg [dreg:$0x2];
	[bflag:$0x3] =	sbarrier.arrive $0xFFFF;
	s2 =	simm.s32 @!p0 $0x1C02  }
0x62: {  	[timem:s3], [sflag:s2] =	dma.local @!p0 [hbm:s0], s1  }
0x63: {  	s0 =	simm.s32 @!p0 $0x2  }
0x64: {  	_ =	swait.ge @!p0 [sflag:s0], s1  }
0x65: {  	s1 =	ssub.s32 @!p0 $0x0, s1;
	[sflag:s0] =	ssyncset.done @!p0 $0x0  }
0x66: {  	[sflag:s0] =	ssyncadd.s32 @!p0 s1  }
0x67: {  	[bflag:$0x3] =	sbarrier.arrive $0xFFFF  }
0x68: {  	_ =	shalt  }

// kernel: kernel.9.cloned.1.call-start
scs
__scs_entry_jumppad:
0x0: {  	(pc) =	sbr.rel $0x88, $3  }
0x1: {  	(tag) =	ssettag $0x0;
	lr =	simm.s32 $0x1  }
0x2: {  	[smem:$0x3F95] =	sst lr;
	_ =	strace $0xD0000000  }
0x3: {  	_ = 	snop  }
0x4: {  	_ = 	snop  }
0x5: {  	_ = 	snop  }
0x6: {  	_ = 	snop  }
0x7: {  	_ = 	snop  }
__scs_overlays_trampoline_lowered:
0x8: {  	[smem:$0x3FA4] =	sst s0  }
0x9: {  	[smem:$0x3FA5] =	sst s1  }
0xa: {  	[smem:$0x3FA6] =	sst s2  }
0xb: {  	[smem:$0x3FA7] =	sst s3  }
0xc: {  	[smem:$0x3FA8] =	sst s4  }
0xd: {  	[smem:$0x3FA9] =	sst s5  }
0xe: {  	[smem:$0x3FAA] =	sst s6  }
0xf: {  	[smem:$0x3FAB] =	sst s7  }
0x10: {  	[smem:$0x3FAC] =	sst s8  }
0x11: {  	[smem:$0x3FAD] =	sst s9;
	s0 =	simm.s32 @!p0 $0x0  }
0x12: {  	s1 =	sld [smem:$0x3F93];
	s0 =	simm.s32 @p0 $0x1  }
0x13: {  	[smem:$0x3FAE] =	sst s0;
	s0 =	simm.s32 @!p1 $0x0  }
0x14: {  	s2 =	sld [smem:$0x3F92];
	s0 =	simm.s32 @p1 $0x1  }
0x15: {  	[smem:$0x3FAF] =	sst s0;
	s0 =	simm.s32 @!p2 $0x0  }
0x16: {  	s3 =	sld [smem:$0x3FDB];
	s0 =	simm.s32 @p2 $0x1  }
0x17: {  	s4 =	simm.s32 $0x1BF5;
	[smem:$0x3FB1] =	sst s0  }
0x18: {  	s0 =	sld [smem:$0x3F94];
	_ =	swait.ge [sflag:s4], $0x0  }
0x19: {  	s7 =	sld [smem:$0x3F95]  }
0x1a: {  	s8 =	sadd.s32 $0xFFFFE003, lr  }
0x1b: {  	s9 =	sadd.s32 $0xFFFFFEF7, lr;
	s5 =	simm.s32 $0xFFFFFFFF;
	p2 =	slt.u32 s8, $0xFFFFF086  }
0x1c: {  	p1 =	slt.u32 s9, $0xF7A;
	s5 =	simm.s32 @!p2 $0x0  }
0x1d: {  	s5 =	simm.s32 @p1 $0x1;
	p0 =	seq.s32 s7, s2  }
0x1e: {  	s7 =	smul.u32 @!p0 $0xF7A, s2;
	p2 =	seq.s32 @!p0 s5, $0x0  }
0x1f: {  	s9 =	smul.u32 $0xF7A, s1;
	s8 =	simm.s32 @!p0 $0x1BF5;
	p2 =	por !p2, p0  }
0x20: {  	[sflag:s8] =	ssyncset.s32 @!p0 $0xFFFFF086;
	s6 =	sadd.s32 @!p0 s3, s7;
	s7 =	simm.s32 @!p0 $0x108  }
0x21: {  	s3 =	sadd.s32 s3, s9;
	s6 =	sadd.s32 @!p0 $0x88, s6;
	s7 =	simm.s32 @p2 $0x1082  }
0x22: {  	[simem:s7], [sflag:s8] =	dma.local @!p0 [hbm:s6], $0xF7A  }
0x23: {  	s9 =	sor.u32 $0xD0000000, s2;
	s6 =	simm.s32 $0x108;
	_ =	swait.ge @!p0 [sflag:s8], $0x0  }
0x24: {  	s3 =	sadd.s32 $0x88, s3;
	s6 =	simm.s32 @!p1 $0x1082;
	[sflag:s4] =	ssyncset.s32 $0xFFFFF086  }
0x25: {  	[simem:s6], [sflag:s4] =	dma.local [hbm:s3], $0xF7A  }
0x26: {  	[smem:$0x3F95] =	sst s1;
	(tag) =	ssettag s2;
	_ =	strace s9  }
0x27: {  	s1 =	sld [smem:$0x3FA5]  }
0x28: {  	s2 =	sld [smem:$0x3FA6]  }
0x29: {  	s4 =	sld [smem:$0x3FA8]  }
0x2a: {  	p0 =	seq.s32 s5, $0x0;
	s5 =	sld [smem:$0x3FA9]  }
0x2b: {  	s6 =	sld [smem:$0x3FAA]  }
0x2c: {  	s7 =	sld [smem:$0x3FAB]  }
0x2d: {  	s3 =	simm.s32 $0x108;
	s8 =	sld [smem:$0x3FAC]  }
0x2e: {  	s3 =	simm.s32 @!p0 $0x1082;
	s9 =	sld [smem:$0x3FAD]  }
0x2f: {  	lr =	sadd.s32 s0, s3;
	s0 =	sld [smem:$0x3FA4]  }
0x30: {  	s3 =	sld [smem:$0x3FA7]  }
0x31: {  	[smem:$0x3FB0] =	sst s10  }
0x32: {  	s10 =	sld [smem:$0x3FAE];
	_ =	sdelay $0x3  }
0x33: {  	p0 =	seq.s32 s10, $0x1;
	s10 =	sld [smem:$0x3FB0];
	_ =	sdelay $0x3  }
0x34: {  	[smem:$0x3FB0] =	sst s10  }
0x35: {  	s10 =	sld [smem:$0x3FAF];
	_ =	sdelay $0x3  }
0x36: {  	p1 =	seq.s32 s10, $0x1;
	s10 =	sld [smem:$0x3FB0];
	_ =	sdelay $0x3  }
0x37: {  	[smem:$0x3FB0] =	sst s10  }
0x38: {  	s10 =	sld [smem:$0x3FB1]  }
0x39: {  	_ = 	snop;
	(pc) =	sbr.ind lr, $3  }
0x3a: {  	_ = 	snop  }
0x3b: {  	_ = 	snop  }
0x3c: {  	p2 =	seq.s32 s10, $0x1;
	s10 =	sld [smem:$0x3FB0]  }
0x3d: {  	_ =	shalt  }
0x3e: {  	_ =	shalt  }
0x3f: {  	_ =	shalt  }
0x40: {  	_ =	shalt  }
0x41: {  	_ =	shalt  }
0x42: {  	_ =	shalt  }
0x43: {  	_ =	shalt  }
0x44: {  	_ =	shalt  }
0x45: {  	_ =	shalt  }
0x46: {  	_ =	shalt  }
0x47: {  	_ =	shalt  }
0x48: {  	_ =	shalt  }
0x49: {  	_ =	shalt  }
0x4a: {  	_ =	shalt  }
0x4b: {  	_ =	shalt  }
0x4c: {  	_ =	shalt  }
0x4d: {  	_ =	shalt  }
0x4e: {  	_ =	shalt  }
0x4f: {  	_ =	shalt  }
0x50: {  	_ =	shalt  }
0x51: {  	_ =	shalt  }
0x52: {  	_ =	shalt  }
0x53: {  	_ =	shalt  }
0x54: {  	_ =	shalt  }
0x55: {  	_ =	shalt  }
0x56: {  	_ =	shalt  }
0x57: {  	_ =	shalt  }
0x58: {  	_ =	shalt  }
0x59: {  	_ =	shalt  }
0x5a: {  	_ =	shalt  }
0x5b: {  	_ =	shalt  }
0x5c: {  	_ =	shalt  }
0x5d: {  	_ =	shalt  }
0x5e: {  	_ =	shalt  }
0x5f: {  	_ =	shalt  }
0x60: {  	_ =	shalt  }
0x61: {  	_ =	shalt  }
0x62: {  	_ =	shalt  }
0x63: {  	_ =	shalt  }
0x64: {  	_ =	shalt  }
0x65: {  	_ =	shalt  }
0x66: {  	_ =	shalt  }
0x67: {  	_ =	shalt  }
0x68: {  	_ =	shalt  }
0x69: {  	_ =	shalt  }
0x6a: {  	_ =	shalt  }
0x6b: {  	_ =	shalt  }
0x6c: {  	_ =	shalt  }
0x6d: {  	_ =	shalt  }
0x6e: {  	_ =	shalt  }
0x6f: {  	_ =	shalt  }
0x70: {  	_ =	shalt  }
0x71: {  	_ =	shalt  }
0x72: {  	_ =	shalt  }
0x73: {  	_ =	shalt  }
0x74: {  	_ =	shalt  }
0x75: {  	_ =	shalt  }
0x76: {  	_ =	shalt  }
0x77: {  	_ =	shalt  }
0x78: {  	_ =	shalt  }
0x79: {  	_ =	shalt  }
0x7a: {  	_ =	shalt  }
0x7b: {  	_ =	shalt  }
0x7c: {  	_ =	shalt  }
0x7d: {  	_ =	shalt  }
0x7e: {  	_ =	shalt  }
0x7f: {  	_ =	shalt  }
0x80: {  	_ =	shalt  }
0x81: {  	_ =	shalt  }
0x82: {  	_ =	shalt  }
0x83: {  	_ =	shalt  }
0x84: {  	_ =	shalt  }
0x85: {  	_ =	shalt  }
0x86: {  	_ =	shalt  }
0x87: {  	_ =	shalt  }
.Lfunc_end0:
.L_simem_size_0:
called_computation.1_lowered:
.L_overlay_start_0:
0x88: {  	s2 =	sld [smem:$0x3FD9]  }
0x89: {  	s3 =	sld [smem:$0x3FFE];
	_ =	sdelay $0x1  }
0x8a: {  	s1 =	srdreg.scid  }
0x8b: {  	s0 =	sand.u32 $0x1, s1  }
0x8c: {  	s17 =	sshll.u32 s0, $0xA;
	s2 =	sadd.s32 s3, s2  }
0x8d: {  	s2 =	sadd.s32 s2, s17  }
0x8e: {  	[smem:$0x3FBC] =	sst s2  }
0x8f: {  	_ = 	snop  }
0x90: {  	s2 =	sld [smem:$0x3FD0];
	(tm) =	ssettm $0x1  }
0x91: {  	s18 =	sld [smem:$0x3FFB];
	_ =	sdelay $0x3  }
0x92: {  	_ =	strace s18  }
0x93: {  	s3 =	sld [smem:$0x3FFC];
	_ =	sdelay $0x3  }
0x94: {  	_ =	strace s3  }
0x95: {  	s3 =	sld [smem:$0x3FFD];
	_ =	sdelay $0x3  }
0x96: {  	_ =	strace s3  }
0x97: {  	_ =	strace $0x8FFFFFFF  }
0x98: {  	s19 =	sld [smem:$0x3FDB];
	_ =	sdelay $0x1  }
0x99: {  	s4 =	simm.s32 $_scs_section_size  }
0x9a: {  	s5 =	simm.s32 $_size__tile_overlayer_lowered;
	s6 =	simm.s32 $_tile_overlayer_lowered  }
0x9b: {  	s22 =	simm.s32 $0x1BFF;
	s21 =	sshll.u32 s6, $0x1;
	s3 =	sadd.s32 s4, s19  }
0x9c: {  	s7 =	simm.s32 $0x0;
	s20 =	sshll.u32 s5, $0x1;
	s5 =	sadd.s32 s21, s3  }
0x9d: {  	[timem:s7], [sflag:s22] =	dma.local [hbm:s5], s20  }
0x9e: {  	_ =	swait.ge [sflag:s22], s20  }
0x9f: {  	s4 =	ssub.s32 $0x0, s20;
	[sflag:s22] =	ssyncset.done $0x0  }
0xa0: {  	[sflag:s22] =	ssyncadd.s32 s4;
	_ =	sdelay $0x1  }
0xa1: {  	s23 =	simm.s32 $0x1B8B  }
0xa2: {  	_ =	swait.ge [sflag:s23], $0x1  }
0xa3: {  	[sflag:s23] =	ssyncset.done $0x0  }
0xa4: {  	s25 =	simm.s32 $0x1B8E;
	s24 =	sld [smem:$0x3FFE];
	[sflag:s23] =	ssyncadd.s32 $0xFFFFFFFF  }
0xa5: {  	s26 =	simm.s32 $execute0_lowered;
	[smem:$0x3FD2] =	sst s25  }
0xa6: {  	s5 =	sshll.u32 s26, $0x1;
	_ =	strace $0x80000049;
	[dreg:$0x1] =	wrdreg $0xFFFFFFFF  }
0xa7: {  	s28 =	simm.s32 $_size_execute0_lowered;
	s3 =	sadd.s32 s3, s5;
	[dreg:$0x0] =	wrdreg $0x0  }
0xa8: {  	s5 =	sshll.u32 s28, $0x1;
	[dreg:$0x2] =	wrdreg s3  }
0xa9: {  	[dreg:$0x3] =	wrdreg s5  }
0xaa: {  	[dreg:$0x4] =	wrdreg $0xC0  }
0xab: {  	_ =	task [dreg:s7], $0x5FFFF  }
0xac: {  	[dreg:$0x1] =	wrdreg $0xFFFFFFFF  }
0xad: {  	[dreg:$0x0] =	wrdreg $0x60  }
0xae: {  	[dreg:$0x2] =	wrdreg s2  }
0xaf: {  	[dreg:$0x3] =	wrdreg s24  }
0xb0: {  	[dreg:$0x4] =	wrdreg $0xAA000  }
0xb1: {  	[dreg:$0x5] =	wrdreg $0x9  }
0xb2: {  	_ =	task.clear_ibuf [dreg:s7], $0x6FFFF;
	_ =	strace $0x90000049  }
0xb3: {  	s29 =	simm.s32 $0x9;
	_ =	strace $0x8000004B  }
0xb4: {  	_ =	swait.ge [sflag:s29], $0x1  }
0xb5: {  	[sflag:s29] =	ssyncadd.s32 $0xFFFFFFFF  }
0xb6: {  	_ =	strace $0x9000004B  }
0xb7: {  	_ =	sfence  }
0xb8: {  	s30 =	sld [smem:$0x0];
	_ =	sdelay $0x2  }
0xb9: {  	s31 =	sshll.u32 s1, $0xD;
	s1 =	sshrl.u32 s1, $0x2  }
0xba: {  	s3 =	sand.u32 $0x4000, s31;
	s1 =	sadd.s32 s1, s30  }
0xbb: {  	s0 =	sor.u32 s3, s0;
	s1 =	sshll.u32 s1, $0x11  }
0xbc: {  	s0 =	sor.u32 s1, s0  }
0xbd: {  	s0 =	sadd.s32 $0x8F2B, s0  }
0xbe: {  	[sflag:s0] =	ssyncadd.remote.s32 $0x1  }
0xbf: {  	_ =	sfence.sel $0xFFFF  }
0xc0: {  	[dreg:$0x0] =	wrdreg $0xFFFFFFFF;
	(pc) =	sbr.abs _section_cstart, $3  }
0xc1: {  	[dreg:$0x1] =	wrdreg $0xFFFFFFFF  }
0xc2: {  	_ =	task.clear_ibuf [dreg:s7], $0x2FFFF;
	_ =	strace $0x9FFFFFFF  }
0xc3: {  	(tm) =	ssettm $0x7FFFFFFF  }
tec
execute0_lowered:
.L_overlay_start_1:
0x0: {  	(tag) =	ssettag $0x1  }
0x1: {  	s7 =	rddreg [dreg:$0x0]  }
0x2: {  	s5 =	rddreg [dreg:$0x1];
	s1 =	srdreg.scid  }
0x3: {  	s0 =	stileid.u32;
	s2 =	rddreg [dreg:$0x2]  }
0x4: {  	s3 =	simm.s32 $0x0;
	s13 =	simm.s32 $0x2800;
	s14 =	simm.s32 $0x2A00  }
0x5: {  	s15 =	simm.s32 $0x2900;
	s16 =	simm.s32 $0x6A00;
	s17 =	simm.s32 $0x4  }
0x6: {  	s18 =	simm.s32 $0x1;
	s19 =	simm.s32 $0x2880;
	s20 =	simm.s32 $0x3  }
0x7: {  	s21 =	simm.s32 $0x2980;
	s23 =	simm.s32 $0x5;
	s24 =	simm.s32 $0x0  }
0x8: {  	s6 =	sand.u32 $0x1, s1;
	s8 =	smul.u32 $0x14000, s0;
	s1 =	rddreg [dreg:$0x3]  }
0x9: {  	[smem:$0x7FF] =	sst s3;
	s4 =	sadd.s32 $0x2E00, s5;
	s11 =	smul.u32 $0x50000, s0  }
0xa: {  	s22 =	sshll.u32 s0, $0x6;
	s9 =	smul.u32 $0x140000, s6;
	s10 =	ssub.s32 $0x2, s6  }
0xb: {  	_ =	strace $0x8000004A;
	s6 =	sshll.u32 s6, $0x4;
	s29 =	sshrl.u32 s10, $0x1  }
0xc: {  	s30 =	sshrl.u32 s11, $0x2;
	s6 =	sor.u32 s0, s6;
	s11 =	simm.s32 $0x2  }
0xd: {  	s9 =	sadd.s32 s8, s9;
	s10 =	ssub.s32 s10, s29;
	s8 =	sshrl.u32 s8, $0x3  }
0xe: {  	s31 =	smul.u32 $0x500, s6;
	s12 =	sadd.s32 s30, s2;
	s9 =	sshrl.u32 s9, $0x3  }
0xf: {  	s6 =	sor.u32 $0x1C04, s22;
	s22 =	sor.u32 $0x1C05, s22;
	s9 =	sadd.s32 s9, s5  }
0x10: {  	s5 =	sadd.s32 s4, s8;
	s7 =	sadd.s32 s7, s31;
	s8 =	sadd.s32 $0x2AE00, s9  }
0x11: {  	s9 =	smax.u32 s10, $0x1;
	s10 =	sshrl.u32 s12, $0x3;
	s12 =	simm.s32 $0x80  }
.LBB2_1:
0x12: {  	[spmem:s10], [sflag:s6] =	dma.local [hbm:s5], $0x2800  }
0x13: {  	[tilespmem:s3], [sflag:$0x2] =	stream.linear.gather [hbm4b:s7+s3], $0x2800, $0x38;
	[tilespmem:$0x1EA00] =	vst v63  }
0x14: {  	_ =	swait.ge [sflag:s11], $0x2800  }
0x15: {  	[sflag:s11] =	ssyncset.done $0x0  }
0x16: {  	[sflag:s11] =	ssyncadd.s32 $0xFFFFD800  }
0x17: {  	v0 =	vld [tilespmem:$0x0];
	_ =	sdelay $0x1  }
0x18: {  	v1 =	vld [tilespmem:$0x10];
	_ =	sdelay $0x1  }
0x19: {  	v2 =	vld [tilespmem:$0x20]  }
0x1a: {  	v3 =	vand.u32 $0xFFFF, v0  }
0x1b: {  	v0 =	vshra.s32 v0, $0x10;
	[tilespmem:$0x2800] =	vst v3;
	v3 =	vld [tilespmem:$0x30]  }
0x1c: {  	[tilespmem:$0x2880] =	vst v0;
	v0 =	vand.u32 $0xFFFF, v1  }
0x1d: {  	[tilespmem:$0x2810] =	vst v0;
	v0 =	vshra.s32 v1, $0x10;
	v1 =	vld [tilespmem:$0x40]  }
0x1e: {  	[tilespmem:$0x2890] =	vst v0;
	v0 =	vand.u32 $0xFFFF, v2  }
0x1f: {  	[tilespmem:$0x2820] =	vst v0;
	v0 =	vshra.s32 v2, $0x10;
	v2 =	vld [tilespmem:$0x50]  }
0x20: {  	[tilespmem:$0x28A0] =	vst v0;
	v0 =	vand.u32 $0xFFFF, v3  }
0x21: {  	[tilespmem:$0x2830] =	vst v0;
	v0 =	vshra.s32 v3, $0x10;
	v3 =	vld [tilespmem:$0x60]  }
0x22: {  	[tilespmem:$0x28B0] =	vst v0;
	v0 =	vand.u32 $0xFFFF, v1  }
0x23: {  	[tilespmem:$0x2840] =	vst v0;
	v0 =	vshra.s32 v1, $0x10;
	v1 =	vld [tilespmem:$0x70]  }
0x24: {  	[tilespmem:$0x28C0] =	vst v0;
	v0 =	vand.u32 $0xFFFF, v2  }
0x25: {  	[tilespmem:$0x2850] =	vst v0;
	v0 =	vshra.s32 v2, $0x10  }
0x26: {  	[tilespmem:$0x28D0] =	vst v0;
	v0 =	vand.u32 $0xFFFF, v3  }
0x27: {  	[tilespmem:$0x2860] =	vst v0;
	v0 =	vshra.s32 v3, $0x10  }
0x28: {  	[tilespmem:$0x28E0] =	vst v0;
	v0 =	vand.u32 $0xFFFF, v1  }
0x29: {  	[tilespmem:$0x2870] =	vst v0;
	v0 =	vshra.s32 v1, $0x10  }
0x2a: {  	[tilespmem:$0x28F0] =	vst v0  }
0x2b: {  	[tilespmem:s14], [sflag:$0x1] =	stream.indirect.gather [hbm4b:s4+s12], $0x80, s13, s12, $0xb8;
	[tilespmem:$0x1EA00] =	vst v63  }
0x2c: {  	v0 =	vld [tilespmem:$0x80];
	_ =	sdelay $0x1  }
0x2d: {  	v1 =	vld [tilespmem:$0x90];
	_ =	sdelay $0x1  }
0x2e: {  	v2 =	vld [tilespmem:$0xA0]  }
0x2f: {  	v3 =	vand.u32 $0xFFFF, v0  }
0x30: {  	v0 =	vshra.s32 v0, $0x10;
	[tilespmem:$0x2900] =	vst v3;
	v3 =	vld [tilespmem:$0xB0]  }
0x31: {  	[tilespmem:$0x2980] =	vst v0;
	v0 =	vand.u32 $0xFFFF, v1  }
0x32: {  	[tilespmem:$0x2910] =	vst v0;
	v0 =	vshra.s32 v1, $0x10;
	v1 =	vld [tilespmem:$0xC0]  }
0x33: {  	[tilespmem:$0x2990] =	vst v0;
	v0 =	vand.u32 $0xFFFF, v2  }
0x34: {  	[tilespmem:$0x2920] =	vst v0;
	v0 =	vshra.s32 v2, $0x10;
	v2 =	vld [tilespmem:$0xD0]  }
0x35: {  	[tilespmem:$0x29A0] =	vst v0;
	v0 =	vand.u32 $0xFFFF, v3  }
0x36: {  	[tilespmem:$0x2930] =	vst v0;
	v0 =	vshra.s32 v3, $0x10;
	v3 =	vld [tilespmem:$0xE0]  }
0x37: {  	[tilespmem:$0x29B0] =	vst v0;
	v0 =	vand.u32 $0xFFFF, v1  }
0x38: {  	[tilespmem:$0x2940] =	vst v0;
	v0 =	vshra.s32 v1, $0x10;
	v1 =	vld [tilespmem:$0xF0]  }
0x39: {  	[tilespmem:$0x29C0] =	vst v0;
	v0 =	vand.u32 $0xFFFF, v2  }
0x3a: {  	[tilespmem:$0x2950] =	vst v0;
	v0 =	vshra.s32 v2, $0x10  }
0x3b: {  	[tilespmem:$0x29D0] =	vst v0;
	v0 =	vand.u32 $0xFFFF, v3  }
0x3c: {  	[tilespmem:$0x2960] =	vst v0;
	v0 =	vshra.s32 v3, $0x10  }
0x3d: {  	[tilespmem:$0x29E0] =	vst v0;
	v0 =	vand.u32 $0xFFFF, v1  }
0x3e: {  	[tilespmem:$0x2970] =	vst v0;
	v0 =	vshra.s32 v1, $0x10  }
0x3f: {  	[tilespmem:$0x29F0] =	vst v0  }
0x40: {  	[tilespmem:s16], [sflag:$0x2] =	stream.indirect.gather [hbm4b:s4+s12], $0x80, s15, s12, $0xb8;
	[tilespmem:$0x1EA00] =	vst v63  }
0x41: {  	_ =	swait.ge [sflag:s17], $0x2800  }
0x42: {  	[sflag:s17] =	ssyncset.done $0x0  }
0x43: {  	[sflag:s17] =	ssyncadd.s32 $0xFFFFD800  }
0x44: {  	[bflag:$0x0] =	sbarrier.arrive $0xFFFF  }
0x45: {  	_ =	swait.ge [sflag:s18], $0x4000  }
0x46: {  	[sflag:s18] =	ssyncset.done $0x0  }
0x47: {  	[sflag:s18] =	ssyncadd.s32 $0xFFFFC000  }
0x48: {  	[spmem:s2] =	stream.indirect.scatter.add.f32 [tilespmem:s14], [sflag:$0x3], $0x80, s19, s12, $0xb8;
	[tilespmem:$0x1EA00] =	vst v63  }
0x49: {  	_ =	swait.ge [sflag:s20], $0x4000  }
0x4a: {  	[sflag:s20] =	ssyncset.done $0x0  }
0x4b: {  	s25 =	simm.s32 $0x1F0;
	[sflag:s20] =	ssyncadd.s32 $0xFFFFC000  }
0x4c: {  	v0 =	vld [tilespmem:s25+$0xFFFFFF10];
	_ =	sdelay $0x4  }
0x4d: {  	v1 =	vand.u32 $0xFFFF, v0  }
0x4e: {  	v0 =	vshra.s32 v0, $0x10;
	[tilespmem:$0x2800] =	vst v1  }
0x4f: {  	[tilespmem:$0x2880] =	vst v0  }
0x50: {  	v0 =	vld [tilespmem:s25+$0xFFFFFF20];
	_ =	sdelay $0x4  }
0x51: {  	v1 =	vand.u32 $0xFFFF, v0  }
0x52: {  	v0 =	vshra.s32 v0, $0x10;
	[tilespmem:$0x2810] =	vst v1  }
0x53: {  	[tilespmem:$0x2890] =	vst v0  }
0x54: {  	v0 =	vld [tilespmem:s25+$0xFFFFFF30];
	_ =	sdelay $0x4  }
0x55: {  	v1 =	vand.u32 $0xFFFF, v0  }
0x56: {  	v0 =	vshra.s32 v0, $0x10;
	[tilespmem:$0x2820] =	vst v1  }
0x57: {  	[tilespmem:$0x28A0] =	vst v0  }
0x58: {  	v0 =	vld [tilespmem:s25+$0xFFFFFF40];
	_ =	sdelay $0x4  }
0x59: {  	v1 =	vand.u32 $0xFFFF, v0  }
0x5a: {  	v0 =	vshra.s32 v0, $0x10;
	[tilespmem:$0x2830] =	vst v1  }
0x5b: {  	[tilespmem:$0x28B0] =	vst v0  }
0x5c: {  	v0 =	vld [tilespmem:s25+$0xFFFFFF50];
	_ =	sdelay $0x4  }
0x5d: {  	v1 =	vand.u32 $0xFFFF, v0  }
0x5e: {  	v0 =	vshra.s32 v0, $0x10;
	[tilespmem:$0x2840] =	vst v1  }
0x5f: {  	[tilespmem:$0x28C0] =	vst v0  }
0x60: {  	v0 =	vld [tilespmem:s25+$0xFFFFFF60];
	_ =	sdelay $0x4  }
0x61: {  	v1 =	vand.u32 $0xFFFF, v0  }
0x62: {  	v0 =	vshra.s32 v0, $0x10;
	[tilespmem:$0x2850] =	vst v1  }
0x63: {  	[tilespmem:$0x28D0] =	vst v0  }
0x64: {  	v0 =	vld [tilespmem:s25+$0xFFFFFF70];
	_ =	sdelay $0x4  }
0x65: {  	v1 =	vand.u32 $0xFFFF, v0  }
0x66: {  	v0 =	vshra.s32 v0, $0x10;
	[tilespmem:$0x2860] =	vst v1  }
0x67: {  	[tilespmem:$0x28E0] =	vst v0  }
0x68: {  	v0 =	vld [tilespmem:s25+$0xFFFFFF80];
	_ =	sdelay $0x4  }
0x69: {  	v1 =	vand.u32 $0xFFFF, v0  }
0x6a: {  	v0 =	vshra.s32 v0, $0x10;
	[tilespmem:$0x2870] =	vst v1  }
0x6b: {  	[tilespmem:$0x28F0] =	vst v0  }
0x6c: {  	_ =	swait.ge [sflag:s11], $0x4000  }
0x6d: {  	[sflag:s11] =	ssyncset.done $0x0  }
0x6e: {  	[sflag:s11] =	ssyncadd.s32 $0xFFFFC000  }
0x6f: {  	[spmem:s2] =	stream.indirect.scatter.add.f32 [tilespmem:s16], [sflag:$0x4], $0x80, s21, s12, $0xb8;
	[tilespmem:$0x1EA00] =	vst v63  }
0x70: {  	_ = 	snop  }
0x71: {  	[tilespmem:s14], [sflag:$0x1] =	stream.indirect.gather [hbm4b:s4+s12], $0x80, s13, s12, $0xb8;
	[tilespmem:$0x1EA00] =	vst v63  }
0x72: {  	_ =	swait.ge [sflag:s17], $0x4000  }
0x73: {  	[sflag:s17] =	ssyncset.done $0x0  }
0x74: {  	[sflag:s17] =	ssyncadd.s32 $0xFFFFC000  }
0x75: {  	v0 =	vld [tilespmem:s25+$0xFFFFFF90];
	_ =	sdelay $0x4  }
0x76: {  	v1 =	vand.u32 $0xFFFF, v0  }
0x77: {  	v0 =	vshra.s32 v0, $0x10;
	[tilespmem:$0x2900] =	vst v1  }
0x78: {  	[tilespmem:$0x2980] =	vst v0  }
0x79: {  	v0 =	vld [tilespmem:s25+$0xFFFFFFA0];
	_ =	sdelay $0x4  }
0x7a: {  	v1 =	vand.u32 $0xFFFF, v0  }
0x7b: {  	v0 =	vshra.s32 v0, $0x10;
	[tilespmem:$0x2910] =	vst v1  }
0x7c: {  	[tilespmem:$0x2990] =	vst v0  }
0x7d: {  	v0 =	vld [tilespmem:s25+$0xFFFFFFB0];
	_ =	sdelay $0x4  }
0x7e: {  	v1 =	vand.u32 $0xFFFF, v0  }
0x7f: {  	v0 =	vshra.s32 v0, $0x10;
	[tilespmem:$0x2920] =	vst v1  }
0x80: {  	[tilespmem:$0x29A0] =	vst v0  }
0x81: {  	v0 =	vld [tilespmem:s25+$0xFFFFFFC0];
	_ =	sdelay $0x4  }
0x82: {  	v1 =	vand.u32 $0xFFFF, v0  }
0x83: {  	v0 =	vshra.s32 v0, $0x10;
	[tilespmem:$0x2930] =	vst v1  }
0x84: {  	[tilespmem:$0x29B0] =	vst v0  }
0x85: {  	v0 =	vld [tilespmem:s25+$0xFFFFFFD0];
	_ =	sdelay $0x4  }
0x86: {  	v1 =	vand.u32 $0xFFFF, v0  }
0x87: {  	v0 =	vshra.s32 v0, $0x10;
	[tilespmem:$0x2940] =	vst v1  }
0x88: {  	[tilespmem:$0x29C0] =	vst v0  }
0x89: {  	v0 =	vld [tilespmem:s25+$0xFFFFFFE0];
	_ =	sdelay $0x4  }
0x8a: {  	v1 =	vand.u32 $0xFFFF, v0  }
0x8b: {  	v0 =	vshra.s32 v0, $0x10;
	[tilespmem:$0x2950] =	vst v1  }
0x8c: {  	[tilespmem:$0x29D0] =	vst v0  }
0x8d: {  	s26 =	simm.s32 $0xBC0;
	v0 =	vld [tilespmem:s25+$0xFFFFFFF0]  }
.LBB2_2:
0x8e: {  	_ =	sdelay $0x3  }
0x8f: {  	p0 =	sne.s32 s26, $0x9FC0;
	s28 =	smov.u32 s26;
	s26 =	sadd.s32 $0x400, s26;
	v1 =	vand.u32 $0xFFFF, v0;
	v0 =	vshra.s32 v0, $0x10  }
0x90: {  	[tilespmem:$0x2960] =	vst v1  }
0x91: {  	[tilespmem:$0x29E0] =	vst v0  }
0x92: {  	v0 =	vld [tilespmem:s25+$0x0];
	_ =	sdelay $0x4  }
0x93: {  	v1 =	vand.u32 $0xFFFF, v0;
	v0 =	vshra.s32 v0, $0x10  }
0x94: {  	[tilespmem:$0x2970] =	vst v1  }
0x95: {  	[tilespmem:$0x29F0] =	vst v0  }
0x96: {  	_ =	swait.ge [sflag:s18], $0x4000  }
0x97: {  	[sflag:s18] =	ssyncset.done $0x0  }
0x98: {  	[sflag:s18] =	ssyncadd.s32 $0xFFFFC000  }
0x99: {  	[spmem:s2] =	stream.indirect.scatter.add.f32 [tilespmem:s14], [sflag:$0x3], $0x80, s19, s12, $0xb8;
	[tilespmem:$0x1EA00] =	vst v63  }
0x9a: {  	_ = 	snop  }
0x9b: {  	[tilespmem:s16], [sflag:$0x2] =	stream.indirect.gather [hbm4b:s4+s12], $0x80, s15, s12, $0xb8;
	[tilespmem:$0x1EA00] =	vst v63  }
0x9c: {  	_ =	swait.ge [sflag:s20], $0x4000  }
0x9d: {  	[sflag:s20] =	ssyncset.done $0x0  }
0x9e: {  	s25 =	sshra.s32 s28, $0x2;
	[sflag:s20] =	ssyncadd.s32 $0xFFFFC000  }
0x9f: {  	v0 =	vld [tilespmem:s25+$0xFFFFFF10];
	_ =	sdelay $0x4  }
0xa0: {  	v1 =	vand.u32 $0xFFFF, v0;
	v0 =	vshra.s32 v0, $0x10  }
0xa1: {  	[tilespmem:$0x2800] =	vst v1  }
0xa2: {  	[tilespmem:$0x2880] =	vst v0  }
0xa3: {  	v0 =	vld [tilespmem:s25+$0xFFFFFF20];
	_ =	sdelay $0x4  }
0xa4: {  	v1 =	vand.u32 $0xFFFF, v0;
	v0 =	vshra.s32 v0, $0x10  }
0xa5: {  	[tilespmem:$0x2810] =	vst v1  }
0xa6: {  	[tilespmem:$0x2890] =	vst v0  }
0xa7: {  	v0 =	vld [tilespmem:s25+$0xFFFFFF30];
	_ =	sdelay $0x4  }
0xa8: {  	v1 =	vand.u32 $0xFFFF, v0;
	v0 =	vshra.s32 v0, $0x10  }
0xa9: {  	[tilespmem:$0x2820] =	vst v1  }
0xaa: {  	[tilespmem:$0x28A0] =	vst v0  }
0xab: {  	v0 =	vld [tilespmem:s25+$0xFFFFFF40];
	_ =	sdelay $0x4  }
0xac: {  	v1 =	vand.u32 $0xFFFF, v0;
	v0 =	vshra.s32 v0, $0x10  }
0xad: {  	[tilespmem:$0x2830] =	vst v1  }
0xae: {  	[tilespmem:$0x28B0] =	vst v0  }
0xaf: {  	v0 =	vld [tilespmem:s25+$0xFFFFFF50];
	_ =	sdelay $0x4  }
0xb0: {  	v1 =	vand.u32 $0xFFFF, v0;
	v0 =	vshra.s32 v0, $0x10  }
0xb1: {  	[tilespmem:$0x2840] =	vst v1  }
0xb2: {  	[tilespmem:$0x28C0] =	vst v0  }
0xb3: {  	v0 =	vld [tilespmem:s25+$0xFFFFFF60];
	_ =	sdelay $0x4  }
0xb4: {  	v1 =	vand.u32 $0xFFFF, v0;
	v0 =	vshra.s32 v0, $0x10  }
0xb5: {  	[tilespmem:$0x2850] =	vst v1  }
0xb6: {  	[tilespmem:$0x28D0] =	vst v0  }
0xb7: {  	v0 =	vld [tilespmem:s25+$0xFFFFFF70];
	_ =	sdelay $0x4  }
0xb8: {  	v1 =	vand.u32 $0xFFFF, v0;
	v0 =	vshra.s32 v0, $0x10  }
0xb9: {  	[tilespmem:$0x2860] =	vst v1  }
0xba: {  	[tilespmem:$0x28E0] =	vst v0  }
0xbb: {  	v0 =	vld [tilespmem:s25+$0xFFFFFF80];
	_ =	sdelay $0x4  }
0xbc: {  	v1 =	vand.u32 $0xFFFF, v0;
	v0 =	vshra.s32 v0, $0x10  }
0xbd: {  	[tilespmem:$0x2870] =	vst v1  }
0xbe: {  	[tilespmem:$0x28F0] =	vst v0  }
0xbf: {  	_ =	swait.ge [sflag:s11], $0x4000  }
0xc0: {  	[sflag:s11] =	ssyncset.done $0x0  }
0xc1: {  	[sflag:s11] =	ssyncadd.s32 $0xFFFFC000  }
0xc2: {  	[spmem:s2] =	stream.indirect.scatter.add.f32 [tilespmem:s16], [sflag:$0x4], $0x80, s21, s12, $0xb8;
	[tilespmem:$0x1EA00] =	vst v63  }
0xc3: {  	_ = 	snop  }
0xc4: {  	[tilespmem:s14], [sflag:$0x1] =	stream.indirect.gather [hbm4b:s4+s12], $0x80, s13, s12, $0xb8;
	[tilespmem:$0x1EA00] =	vst v63  }
0xc5: {  	_ =	swait.ge [sflag:s17], $0x4000  }
0xc6: {  	[sflag:s17] =	ssyncset.done $0x0  }
0xc7: {  	[sflag:s17] =	ssyncadd.s32 $0xFFFFC000  }
0xc8: {  	v0 =	vld [tilespmem:s25+$0xFFFFFF90];
	_ =	sdelay $0x4  }
0xc9: {  	v1 =	vand.u32 $0xFFFF, v0;
	v0 =	vshra.s32 v0, $0x10  }
0xca: {  	[tilespmem:$0x2900] =	vst v1  }
0xcb: {  	[tilespmem:$0x2980] =	vst v0  }
0xcc: {  	v0 =	vld [tilespmem:s25+$0xFFFFFFA0];
	_ =	sdelay $0x4  }
0xcd: {  	v1 =	vand.u32 $0xFFFF, v0;
	v0 =	vshra.s32 v0, $0x10  }
0xce: {  	[tilespmem:$0x2910] =	vst v1  }
0xcf: {  	[tilespmem:$0x2990] =	vst v0  }
0xd0: {  	v0 =	vld [tilespmem:s25+$0xFFFFFFB0];
	_ =	sdelay $0x4  }
0xd1: {  	v1 =	vand.u32 $0xFFFF, v0;
	v0 =	vshra.s32 v0, $0x10  }
0xd2: {  	[tilespmem:$0x2920] =	vst v1  }
0xd3: {  	[tilespmem:$0x29A0] =	vst v0  }
0xd4: {  	v0 =	vld [tilespmem:s25+$0xFFFFFFC0];
	_ =	sdelay $0x4  }
0xd5: {  	v1 =	vand.u32 $0xFFFF, v0;
	v0 =	vshra.s32 v0, $0x10  }
0xd6: {  	[tilespmem:$0x2930] =	vst v1  }
0xd7: {  	[tilespmem:$0x29B0] =	vst v0  }
0xd8: {  	v0 =	vld [tilespmem:s25+$0xFFFFFFD0];
	_ =	sdelay $0x4  }
0xd9: {  	v1 =	vand.u32 $0xFFFF, v0;
	v0 =	vshra.s32 v0, $0x10  }
0xda: {  	[tilespmem:$0x2940] =	vst v1  }
0xdb: {  	[tilespmem:$0x29C0] =	vst v0  }
0xdc: {  	v0 =	vld [tilespmem:s25+$0xFFFFFFE0];
	_ =	sdelay $0x3  }
.Ltmp0:
0xdd: {  	(pc) =	sbr.rel @p0 .LBB2_2-.Ltmp0, $4  }
0xde: {  	v1 =	vand.u32 $0xFFFF, v0;
	v0 =	vshra.s32 v0, $0x10  }
0xdf: {  	[tilespmem:$0x2950] =	vst v1  }
0xe0: {  	[tilespmem:$0x29D0] =	vst v0  }
0xe1: {  	v0 =	vld [tilespmem:s25+$0xFFFFFFF0]  }
0xe2: {  	_ =	sdelay $0x3  }
0xe3: {  	v1 =	vand.u32 $0xFFFF, v0  }
0xe4: {  	v62 =	vshra.s32 v0, $0x10;
	[tilespmem:$0x2960] =	vst v1  }
0xe5: {  	[tilespmem:$0x29E0] =	vst v62  }
0xe6: {  	v0 =	vld [tilespmem:s25+$0x0];
	_ =	sdelay $0x4  }
0xe7: {  	v63 =	vand.u32 $0xFFFF, v0  }
0xe8: {  	v0 =	vshra.s32 v0, $0x10;
	[tilespmem:$0x2970] =	vst v63  }
0xe9: {  	[tilespmem:$0x29F0] =	vst v0  }
0xea: {  	_ =	swait.ge [sflag:s18], $0x4000  }
0xeb: {  	[sflag:s18] =	ssyncset.done $0x0  }
0xec: {  	[sflag:s18] =	ssyncadd.s32 $0xFFFFC000  }
0xed: {  	[spmem:s2] =	stream.indirect.scatter.add.f32 [tilespmem:s14], [sflag:$0x3], $0x80, s19, s12, $0xb8;
	[tilespmem:$0x1EA00] =	vst v63  }
0xee: {  	_ = 	snop  }
0xef: {  	[tilespmem:s16], [sflag:$0x2] =	stream.indirect.gather [hbm4b:s4+s12], $0x80, s15, s12, $0xb8;
	[tilespmem:$0x1EA00] =	vst v63  }
0xf0: {  	_ =	swait.ge [sflag:s20], $0x4000  }
0xf1: {  	[sflag:s20] =	ssyncset.done $0x0  }
0xf2: {  	[sflag:s20] =	ssyncadd.s32 $0xFFFFC000  }
0xf3: {  	_ =	swait.ge [sflag:s11], $0x4000  }
0xf4: {  	[sflag:s11] =	ssyncset.done $0x0  }
0xf5: {  	[sflag:s11] =	ssyncadd.s32 $0xFFFFC000  }
0xf6: {  	[spmem:s2] =	stream.indirect.scatter.add.f32 [tilespmem:s16], [sflag:$0x4], $0x80, s21, s12, $0xb8;
	[tilespmem:$0x1EA00] =	vst v63  }
0xf7: {  	_ =	swait.ge [sflag:s17], $0x4000  }
0xf8: {  	s24 =	sadd.s32 $0x1, s24;
	[sflag:s17] =	ssyncset.done $0x0  }
0xf9: {  	p0 =	sne.s32 s24, s9;
	[sflag:s17] =	ssyncadd.s32 $0xFFFFC000  }
.Ltmp1:
0xfa: {  	[bflag:$0x0] =	sbarrier.arrive $0xFFFF;
	(pc) =	sbr.rel @p0 .LBB2_1-.Ltmp1, $4  }
0xfb: {  	[hbm:s8], [sflag:s22] =	dma.local [spmem:s10], $0x2800  }
0xfc: {  	_ =	swait.ge [sflag:s23], $0x2800  }
0xfd: {  	[sflag:s23] =	ssyncset.done $0x0  }
0xfe: {  	[sflag:s23] =	ssyncadd.s32 $0xFFFFD800  }
0xff: {  	_ =	sfence.sel $0x180000  }
0x100: {  	[bflag:$0x0] =	sbarrier.arrive $0xFFFF  }
0x101: {  	p0 =	sne.s32 s0, $0x0;
	_ =	strace $0x9000004A  }
0x102: {  	s0 =	sadd.s32 @!p0 $0x100000, s1;
	[bflag:$0x2] =	sbarrier.arrive $0xFFFF  }
0x103: {  	[sflag:s0] =	ssyncadd.tile.s32 @!p0 $0x1;
	_ =	shalt  }
.Lfunc_end2:
_tile_overlayer_lowered:
.L_overlay_start_2:
0x104: {  	(tag) =	ssettag $0x2  }
0x105: {  	s0 =	rddreg [dreg:$0x0];
	s2 =	stileid.u32  }
0x106: {  	s1 =	rddreg [dreg:$0x1];
	p0 =	sne.s32 s2, $0x0  }
0x107: {  	s3 =	rddreg [dreg:$0x2];
	[bflag:$0x3] =	sbarrier.arrive $0xFFFF;
	s2 =	simm.s32 @!p0 $0x1C05  }
0x108: {  	[timem:s3], [sflag:s2] =	dma.local @!p0 [hbm:s0], s1  }
0x109: {  	s0 =	simm.s32 @!p0 $0x5  }
0x10a: {  	_ =	swait.ge @!p0 [sflag:s0], s1  }
0x10b: {  	s1 =	ssub.s32 @!p0 $0x0, s1;
	[sflag:s0] =	ssyncset.done @!p0 $0x0  }
0x10c: {  	[sflag:s0] =	ssyncadd.s32 @!p0 s1  }
0x10d: {  	[bflag:$0x3] =	sbarrier.arrive $0xFFFF  }
0x10e: {  	_ =	shalt  }

</sc_bundles>
